<compile_context>
chip_gen: v7x
topology: tpu7x:2x2x1
jax: 0.10.2.dev20260603
libtpu: 0.0.44.dev20260713+nightly
codegen_flags: <defaults>
</compile_context>

<pallas_src>
import functools

import jax
import jax.numpy as jnp
from jax import lax
from jax.experimental import pallas as pl
from jax.experimental.pallas import tpu as pltpu
from jax.experimental.pallas import tpu_sc as plsc

_NC = 2
_NS = 16
_NW = _NC * _NS
_NBUF = 4
_CH = 40


def _make_gather(vocab: int, d: int, b_total: int):
  nbuf, ch = _NBUF, _CH
  assert b_total % (8 * _NW) == 0
  b_per_w = b_total // _NW
  assert b_per_w % ch == 0
  nchunk = b_per_w // ch
  assert nchunk % nbuf == 0 and nchunk >= 2 * nbuf

  mesh = plsc.VectorSubcoreMesh(core_axis_name="c", subcore_axis_name="s")

  @functools.partial(
      pl.kernel,
      mesh=mesh,
      out_type=jax.ShapeDtypeStruct((b_total, d), jnp.float32),
      scratch_types=(
          [pltpu.VMEM((b_per_w,), jnp.int32)]
          + [pltpu.VMEM((ch, d), jnp.float32) for _ in range(nbuf)]
          + [pltpu.SemaphoreType.DMA for _ in range(2 * nbuf)]
      ),
  )
  def emb(table_hbm, idx_hbm, out_hbm, idx_v, *rest):
    rows = rest[:nbuf]
    gsem = rest[nbuf:2 * nbuf]
    ssem = rest[2 * nbuf:]
    wid = lax.axis_index("s") * _NC + lax.axis_index("c")
    base = wid * b_per_w
    pltpu.sync_copy(idx_hbm.at[pl.ds(base, b_per_w)], idx_v)

    def start_g(c, b):
      pltpu.async_copy(
          table_hbm.at[idx_v.at[pl.ds(c * ch, ch)]], rows[b], gsem[b])

    def wait_g(b):
      pltpu.make_async_copy(
          table_hbm.at[idx_v.at[pl.ds(0, ch)]], rows[b], gsem[b]).wait()

    def start_s(c, b):
      pltpu.async_copy(rows[b], out_hbm.at[pl.ds(base + c * ch, ch)], ssem[b])

    def wait_s(b):
      pltpu.make_async_copy(
          rows[b], out_hbm.at[pl.ds(base, ch)], ssem[b]).wait()

    def step(i, b, issue_wait, issue_gather):
      wait_g(b)
      start_s(i, b)
      if issue_gather:
        if issue_wait:
          wait_s((b - 1) % nbuf)
        start_g(i + nbuf - 1, (b - 1) % nbuf)

    for i in range(nbuf - 1):
      start_g(i, i)
    step(0, 0, issue_wait=False, issue_gather=True)

    n_steady = nchunk - nbuf
    n_loop = (n_steady // nbuf) * nbuf
    @pl.loop(0, n_loop // nbuf)
    def _(c):
      i0 = 1 + c * nbuf
      for k in range(nbuf):
        step(i0 + k, (1 + k) % nbuf, issue_wait=True, issue_gather=True)
    for i in range(1 + n_loop, nchunk - nbuf + 1):
      step(i, i % nbuf, issue_wait=True, issue_gather=True)

    for i in range(nchunk - nbuf + 1, nchunk):
      step(i, i % nbuf, issue_wait=False, issue_gather=False)
    for b in range(nbuf):
      wait_s(b)

  return emb


def kernel(actions_tokens, embedding_table):
  b, s = actions_tokens.shape
  vocab, d = embedding_table.shape
  idx = actions_tokens.reshape(-1).astype(jnp.int32)
  out = _make_gather(vocab, d, b * s)(embedding_table, idx)
  return out.reshape(b, s, d)

# --- scband reference (transcript-rebuilt; emitter-appended) ---
"""Pipeline reference for scband-action-tokenizer-34952443854874 (READ-ONLY COPY).

The authoritative reference and input builder live on the scoring server;
editing this copy changes nothing except your own understanding.
"""

import jax, jax.numpy as jnp
import numpy as np

VOCAB = 100000
D_MODEL = 512

def setup_inputs(seed: int = 0) -> dict:
    key = jax.random.key(seed)
    k_idx, k_tab = jax.random.split(key)
    actions_tokens = jax.random.randint(k_idx, (4096, 200), 0, VOCAB, dtype=jnp.int64)
    embedding_table = jax.random.normal(k_tab, (VOCAB, D_MODEL), dtype=jnp.float32)
    return {"actions_tokens": actions_tokens, "embedding_table": embedding_table}

def reference(actions_tokens, embedding_table):
    # nn.Embedding lookup: gather rows of the table by token index
    return jnp.take(embedding_table, actions_tokens, axis=0)

if __name__ == "__main__":
    import jax
    _d = setup_inputs()
    print(jax.jit(kernel)(*tuple(_d.values())))

</pallas_src>

<mosaic_0001>
#map = affine_map<(d0, d1) -> (0, 0)>
#map1 = affine_map<(d0, d1) -> (0)>
module attributes {stable_mosaic.version = 14 : i64} {
  func.func @emb(%arg0: i32, %arg1: i32, %arg2: memref<100000x512xf32, #tpu.memory_space<hbm>>, %arg3: memref<819200xi32, #tpu.memory_space<hbm>>, %arg4: memref<819200x512xf32, #tpu.memory_space<hbm>>, %arg5: memref<25600xi32, #tpu.memory_space<vmem>>, %arg6: memref<40x512xf32, #tpu.memory_space<vmem>>, %arg7: memref<40x512xf32, #tpu.memory_space<vmem>>, %arg8: memref<40x512xf32, #tpu.memory_space<vmem>>, %arg9: memref<40x512xf32, #tpu.memory_space<vmem>>, %arg10: memref<!tpu.dma_semaphore, #tpu.memory_space<semaphore_mem>>, %arg11: memref<!tpu.dma_semaphore, #tpu.memory_space<semaphore_mem>>, %arg12: memref<!tpu.dma_semaphore, #tpu.memory_space<semaphore_mem>>, %arg13: memref<!tpu.dma_semaphore, #tpu.memory_space<semaphore_mem>>, %arg14: memref<!tpu.dma_semaphore, #tpu.memory_space<semaphore_mem>>, %arg15: memref<!tpu.dma_semaphore, #tpu.memory_space<semaphore_mem>>, %arg16: memref<!tpu.dma_semaphore, #tpu.memory_space<semaphore_mem>>, %arg17: memref<!tpu.dma_semaphore, #tpu.memory_space<semaphore_mem>>) attributes {dimension_semantics = [#tpu.dimension_semantics<core_parallel>, #tpu.dimension_semantics<subcore_parallel>], iteration_bounds = array<i64: 2, 16>, scalar_prefetch = 0 : i64, scratch_operands = 13 : i64, tpu.core_type = #tpu.core_type<sc_vector_subcore>, window_params = [{transform_indices = #map}, {transform_indices = #map1}, {transform_indices = #map}]} {
    %mul3A = arith.constant 2 : i32
    %mul3A_0 = arith.muli %arg1, %mul3A : i32
    %add3A = arith.addi %mul3A_0, %arg0 : i32
    %mul3A_1 = arith.constant 25600 : i32
    %mul3A_2 = arith.muli %add3A, %mul3A_1 : i32
    "tpu.region"() ({
      %run_scoped3A = tpu.sem_alloc : memref<!tpu.dma_semaphore, #tpu.memory_space<semaphore_mem>>
      %dma_start3A_85 = tpu.memref_slice %arg3[%mul3A_2] : memref<819200xi32, #tpu.memory_space<hbm>> -> memref<25600xi32, #tpu.memory_space<hbm>>
      %dma_start3A_86 = tpu.memref_slice %arg3[%mul3A_2] : memref<819200xi32, #tpu.memory_space<hbm>> -> memref<25600xi32, #tpu.memory_space<hbm>>
      tpu.enqueue_dma source(%dma_start3A_86 : memref<25600xi32, #tpu.memory_space<hbm>>) target(%arg5 : memref<25600xi32, #tpu.memory_space<vmem>>) target_semaphore(%run_scoped3A : memref<!tpu.dma_semaphore, #tpu.memory_space<semaphore_mem>>)
      %dma_wait3A_87 = tpu.memref_slice %arg3[%mul3A_2] : memref<819200xi32, #tpu.memory_space<hbm>> -> memref<25600xi32, #tpu.memory_space<hbm>>
      %dma_wait3A_88 = tpu.memref_slice %arg3[%mul3A_2] : memref<819200xi32, #tpu.memory_space<hbm>> -> memref<25600xi32, #tpu.memory_space<hbm>>
      tpu.wait_dma2 semaphore(%run_scoped3A : memref<!tpu.dma_semaphore, #tpu.memory_space<semaphore_mem>>) src(%dma_wait3A_88 : memref<25600xi32, #tpu.memory_space<hbm>>) dst(%arg5 : memref<25600xi32, #tpu.memory_space<vmem>>)
      tpu.yield
    }) : () -> ()
    %dma_start3A = arith.constant 0 : i32
    %dma_start3A_3 = tpu.memref_slice %arg5[%dma_start3A] : memref<25600xi32, #tpu.memory_space<vmem>> -> memref<40xi32, #tpu.memory_space<vmem>>
    %dma_start3A_4 = arith.constant 0 : i32
    %dma_start3A_5 = arith.constant 0 : i32
    %dma_start3A_6 = tpu.memref_slice %arg2[%dma_start3A_4, %dma_start3A_5] : memref<100000x512xf32, #tpu.memory_space<hbm>> -> memref<100000x512xf32, #tpu.memory_space<hbm>>
    tpu.enqueue_indirect_dma source(%dma_start3A_6 : memref<100000x512xf32, #tpu.memory_space<hbm>>) target(%arg6 : memref<40x512xf32, #tpu.memory_space<vmem>>) offsets(%dma_start3A_3 : memref<40xi32, #tpu.memory_space<vmem>>) semaphore(%arg10 : memref<!tpu.dma_semaphore, #tpu.memory_space<semaphore_mem>>)
    %dma_start3A_7 = arith.constant 40 : i32
    %dma_start3A_8 = tpu.memref_slice %arg5[%dma_start3A_7] : memref<25600xi32, #tpu.memory_space<vmem>> -> memref<40xi32, #tpu.memory_space<vmem>>
    %dma_start3A_9 = arith.constant 0 : i32
    %dma_start3A_10 = arith.constant 0 : i32
    %dma_start3A_11 = tpu.memref_slice %arg2[%dma_start3A_9, %dma_start3A_10] : memref<100000x512xf32, #tpu.memory_space<hbm>> -> memref<100000x512xf32, #tpu.memory_space<hbm>>
    tpu.enqueue_indirect_dma source(%dma_start3A_11 : memref<100000x512xf32, #tpu.memory_space<hbm>>) target(%arg7 : memref<40x512xf32, #tpu.memory_space<vmem>>) offsets(%dma_start3A_8 : memref<40xi32, #tpu.memory_space<vmem>>) semaphore(%arg11 : memref<!tpu.dma_semaphore, #tpu.memory_space<semaphore_mem>>)
    %dma_start3A_12 = arith.constant 80 : i32
    %dma_start3A_13 = tpu.memref_slice %arg5[%dma_start3A_12] : memref<25600xi32, #tpu.memory_space<vmem>> -> memref<40xi32, #tpu.memory_space<vmem>>
    %dma_start3A_14 = arith.constant 0 : i32
    %dma_start3A_15 = arith.constant 0 : i32
    %dma_start3A_16 = tpu.memref_slice %arg2[%dma_start3A_14, %dma_start3A_15] : memref<100000x512xf32, #tpu.memory_space<hbm>> -> memref<100000x512xf32, #tpu.memory_space<hbm>>
    tpu.enqueue_indirect_dma source(%dma_start3A_16 : memref<100000x512xf32, #tpu.memory_space<hbm>>) target(%arg8 : memref<40x512xf32, #tpu.memory_space<vmem>>) offsets(%dma_start3A_13 : memref<40xi32, #tpu.memory_space<vmem>>) semaphore(%arg12 : memref<!tpu.dma_semaphore, #tpu.memory_space<semaphore_mem>>)
    %dma_wait3A = arith.constant 0 : i32
    %dma_wait3A_17 = tpu.memref_slice %arg5[%dma_wait3A] : memref<25600xi32, #tpu.memory_space<vmem>> -> memref<40xi32, #tpu.memory_space<vmem>>
    %dma_wait3A_18 = arith.constant 0 : i32
    %dma_wait3A_19 = arith.constant 0 : i32
    %dma_wait3A_20 = tpu.memref_slice %arg2[%dma_wait3A_18, %dma_wait3A_19] : memref<100000x512xf32, #tpu.memory_space<hbm>> -> memref<100000x512xf32, #tpu.memory_space<hbm>>
    tpu.wait_indirect_dma semaphore(%arg10 : memref<!tpu.dma_semaphore, #tpu.memory_space<semaphore_mem>>) src(%dma_wait3A_20 : memref<100000x512xf32, #tpu.memory_space<hbm>>) dst(%arg6 : memref<40x512xf32, #tpu.memory_space<vmem>>)
    %add3A_21 = arith.constant 0 : i32
    %add3A_22 = arith.addi %mul3A_2, %add3A_21 : i32
    %dma_start3A_23 = arith.constant 0 : i32
    %dma_start3A_24 = tpu.memref_slice %arg4[%add3A_22, %dma_start3A_23] : memref<819200x512xf32, #tpu.memory_space<hbm>> -> memref<40x512xf32, #tpu.memory_space<hbm>>
    %dma_start3A_25 = arith.constant 0 : i32
    %dma_start3A_26 = tpu.memref_slice %arg4[%add3A_22, %dma_start3A_25] : memref<819200x512xf32, #tpu.memory_space<hbm>> -> memref<40x512xf32, #tpu.memory_space<hbm>>
    tpu.enqueue_dma source(%arg6 : memref<40x512xf32, #tpu.memory_space<vmem>>) target(%dma_start3A_26 : memref<40x512xf32, #tpu.memory_space<hbm>>) target_semaphore(%arg14 : memref<!tpu.dma_semaphore, #tpu.memory_space<semaphore_mem>>)
    %dma_start3A_27 = arith.constant 120 : i32
    %dma_start3A_28 = tpu.memref_slice %arg5[%dma_start3A_27] : memref<25600xi32, #tpu.memory_space<vmem>> -> memref<40xi32, #tpu.memory_space<vmem>>
    %dma_start3A_29 = arith.constant 0 : i32
    %dma_start3A_30 = arith.constant 0 : i32
    %dma_start3A_31 = tpu.memref_slice %arg2[%dma_start3A_29, %dma_start3A_30] : memref<100000x512xf32, #tpu.memory_space<hbm>> -> memref<100000x512xf32, #tpu.memory_space<hbm>>
    tpu.enqueue_indirect_dma source(%dma_start3A_31 : memref<100000x512xf32, #tpu.memory_space<hbm>>) target(%arg9 : memref<40x512xf32, #tpu.memory_space<vmem>>) offsets(%dma_start3A_28 : memref<40xi32, #tpu.memory_space<vmem>>) semaphore(%arg13 : memref<!tpu.dma_semaphore, #tpu.memory_space<semaphore_mem>>)
    %scan3A = arith.constant 0 : i32
    %scan3A_32 = arith.constant 159 : i32
    %scan3A_33 = arith.addi %scan3A, %scan3A_32 : i32
    %scan3A_34 = arith.constant 1 : i32
    scf.for %scan3A_85 = %scan3A to %scan3A_33 step %scan3A_34  : i32 {
      %mul3A_86 = arith.constant 1 : i32
      %mul3A_87 = arith.muli %scan3A_85, %mul3A_86 : i32
      %add3A_88 = arith.constant 0 : i32
      %add3A_89 = arith.addi %add3A_88, %mul3A_87 : i32
      %mul3A_90 = arith.constant 4 : i32
      %mul3A_91 = arith.muli %add3A_89, %mul3A_90 : i32
      %add3A_92 = arith.constant 1 : i32
      %add3A_93 = arith.addi %add3A_92, %mul3A_91 : i32
      %add3A_94 = arith.constant 0 : i32
      %add3A_95 = arith.addi %add3A_93, %add3A_94 : i32
      %dma_wait3A_96 = arith.constant 0 : i32
      %dma_wait3A_97 = tpu.memref_slice %arg5[%dma_wait3A_96] : memref<25600xi32, #tpu.memory_space<vmem>> -> memref<40xi32, #tpu.memory_space<vmem>>
      %dma_wait3A_98 = arith.constant 0 : i32
      %dma_wait3A_99 = arith.constant 0 : i32
      %dma_wait3A_100 = tpu.memref_slice %arg2[%dma_wait3A_98, %dma_wait3A_99] : memref<100000x512xf32, #tpu.memory_space<hbm>> -> memref<100000x512xf32, #tpu.memory_space<hbm>>
      tpu.wait_indirect_dma semaphore(%arg11 : memref<!tpu.dma_semaphore, #tpu.memory_space<semaphore_mem>>) src(%dma_wait3A_100 : memref<100000x512xf32, #tpu.memory_space<hbm>>) dst(%arg7 : memref<40x512xf32, #tpu.memory_space<vmem>>)
      %mul3A_101 = arith.constant 40 : i32
      %mul3A_102 = arith.muli %add3A_95, %mul3A_101 : i32
      %add3A_103 = arith.addi %mul3A_2, %mul3A_102 : i32
      %dma_start3A_104 = arith.constant 0 : i32
      %dma_start3A_105 = tpu.memref_slice %arg4[%add3A_103, %dma_start3A_104] : memref<819200x512xf32, #tpu.memory_space<hbm>> -> memref<40x512xf32, #tpu.memory_space<hbm>>
      %dma_start3A_106 = arith.constant 0 : i32
      %dma_start3A_107 = tpu.memref_slice %arg4[%add3A_103, %dma_start3A_106] : memref<819200x512xf32, #tpu.memory_space<hbm>> -> memref<40x512xf32, #tpu.memory_space<hbm>>
      tpu.enqueue_dma source(%arg7 : memref<40x512xf32, #tpu.memory_space<vmem>>) target(%dma_start3A_107 : memref<40x512xf32, #tpu.memory_space<hbm>>) target_semaphore(%arg15 : memref<!tpu.dma_semaphore, #tpu.memory_space<semaphore_mem>>)
      %dma_wait3A_108 = arith.constant 0 : i32
      %dma_wait3A_109 = tpu.memref_slice %arg4[%mul3A_2, %dma_wait3A_108] : memref<819200x512xf32, #tpu.memory_space<hbm>> -> memref<40x512xf32, #tpu.memory_space<hbm>>
      %dma_wait3A_110 = arith.constant 0 : i32
      %dma_wait3A_111 = tpu.memref_slice %arg4[%mul3A_2, %dma_wait3A_110] : memref<819200x512xf32, #tpu.memory_space<hbm>> -> memref<40x512xf32, #tpu.memory_space<hbm>>
      tpu.wait_dma2 semaphore(%arg14 : memref<!tpu.dma_semaphore, #tpu.memory_space<semaphore_mem>>) src(%arg6 : memref<40x512xf32, #tpu.memory_space<vmem>>) dst(%dma_wait3A_111 : memref<40x512xf32, #tpu.memory_space<hbm>>)
      %add3A_112 = arith.constant 4 : i32
      %add3A_113 = arith.addi %add3A_95, %add3A_112 : i32
      %sub3A = arith.constant 1 : i32
      %sub3A_114 = arith.subi %add3A_113, %sub3A : i32
      %mul3A_115 = arith.constant 40 : i32
      %mul3A_116 = arith.muli %sub3A_114, %mul3A_115 : i32
      %dma_start3A_117 = tpu.memref_slice %arg5[%mul3A_116] : memref<25600xi32, #tpu.memory_space<vmem>> -> memref<40xi32, #tpu.memory_space<vmem>>
      %dma_start3A_118 = arith.constant 0 : i32
      %dma_start3A_119 = arith.constant 0 : i32
      %dma_start3A_120 = tpu.memref_slice %arg2[%dma_start3A_118, %dma_start3A_119] : memref<100000x512xf32, #tpu.memory_space<hbm>> -> memref<100000x512xf32, #tpu.memory_space<hbm>>
      tpu.enqueue_indirect_dma source(%dma_start3A_120 : memref<100000x512xf32, #tpu.memory_space<hbm>>) target(%arg6 : memref<40x512xf32, #tpu.memory_space<vmem>>) offsets(%dma_start3A_117 : memref<40xi32, #tpu.memory_space<vmem>>) semaphore(%arg10 : memref<!tpu.dma_semaphore, #tpu.memory_space<semaphore_mem>>)
      %add3A_121 = arith.constant 1 : i32
      %add3A_122 = arith.addi %add3A_93, %add3A_121 : i32
      %dma_wait3A_123 = arith.constant 0 : i32
      %dma_wait3A_124 = tpu.memref_slice %arg5[%dma_wait3A_123] : memref<25600xi32, #tpu.memory_space<vmem>> -> memref<40xi32, #tpu.memory_space<vmem>>
      %dma_wait3A_125 = arith.constant 0 : i32
      %dma_wait3A_126 = arith.constant 0 : i32
      %dma_wait3A_127 = tpu.memref_slice %arg2[%dma_wait3A_125, %dma_wait3A_126] : memref<100000x512xf32, #tpu.memory_space<hbm>> -> memref<100000x512xf32, #tpu.memory_space<hbm>>
      tpu.wait_indirect_dma semaphore(%arg12 : memref<!tpu.dma_semaphore, #tpu.memory_space<semaphore_mem>>) src(%dma_wait3A_127 : memref<100000x512xf32, #tpu.memory_space<hbm>>) dst(%arg8 : memref<40x512xf32, #tpu.memory_space<vmem>>)
      %mul3A_128 = arith.constant 40 : i32
      %mul3A_129 = arith.muli %add3A_122, %mul3A_128 : i32
      %add3A_130 = arith.addi %mul3A_2, %mul3A_129 : i32
      %dma_start3A_131 = arith.constant 0 : i32
      %dma_start3A_132 = tpu.memref_slice %arg4[%add3A_130, %dma_start3A_131] : memref<819200x512xf32, #tpu.memory_space<hbm>> -> memref<40x512xf32, #tpu.memory_space<hbm>>
      %dma_start3A_133 = arith.constant 0 : i32
      %dma_start3A_134 = tpu.memref_slice %arg4[%add3A_130, %dma_start3A_133] : memref<819200x512xf32, #tpu.memory_space<hbm>> -> memref<40x512xf32, #tpu.memory_space<hbm>>
      tpu.enqueue_dma source(%arg8 : memref<40x512xf32, #tpu.memory_space<vmem>>) target(%dma_start3A_134 : memref<40x512xf32, #tpu.memory_space<hbm>>) target_semaphore(%arg16 : memref<!tpu.dma_semaphore, #tpu.memory_space<semaphore_mem>>)
      %dma_wait3A_135 = arith.constant 0 : i32
      %dma_wait3A_136 = tpu.memref_slice %arg4[%mul3A_2, %dma_wait3A_135] : memref<819200x512xf32, #tpu.memory_space<hbm>> -> memref<40x512xf32, #tpu.memory_space<hbm>>
      %dma_wait3A_137 = arith.constant 0 : i32
      %dma_wait3A_138 = tpu.memref_slice %arg4[%mul3A_2, %dma_wait3A_137] : memref<819200x512xf32, #tpu.memory_space<hbm>> -> memref<40x512xf32, #tpu.memory_space<hbm>>
      tpu.wait_dma2 semaphore(%arg15 : memref<!tpu.dma_semaphore, #tpu.memory_space<semaphore_mem>>) src(%arg7 : memref<40x512xf32, #tpu.memory_space<vmem>>) dst(%dma_wait3A_138 : memref<40x512xf32, #tpu.memory_space<hbm>>)
      %add3A_139 = arith.constant 4 : i32
      %add3A_140 = arith.addi %add3A_122, %add3A_139 : i32
      %sub3A_141 = arith.constant 1 : i32
      %sub3A_142 = arith.subi %add3A_140, %sub3A_141 : i32
      %mul3A_143 = arith.constant 40 : i32
      %mul3A_144 = arith.muli %sub3A_142, %mul3A_143 : i32
      %dma_start3A_145 = tpu.memref_slice %arg5[%mul3A_144] : memref<25600xi32, #tpu.memory_space<vmem>> -> memref<40xi32, #tpu.memory_space<vmem>>
      %dma_start3A_146 = arith.constant 0 : i32
      %dma_start3A_147 = arith.constant 0 : i32
      %dma_start3A_148 = tpu.memref_slice %arg2[%dma_start3A_146, %dma_start3A_147] : memref<100000x512xf32, #tpu.memory_space<hbm>> -> memref<100000x512xf32, #tpu.memory_space<hbm>>
      tpu.enqueue_indirect_dma source(%dma_start3A_148 : memref<100000x512xf32, #tpu.memory_space<hbm>>) target(%arg7 : memref<40x512xf32, #tpu.memory_space<vmem>>) offsets(%dma_start3A_145 : memref<40xi32, #tpu.memory_space<vmem>>) semaphore(%arg11 : memref<!tpu.dma_semaphore, #tpu.memory_space<semaphore_mem>>)
      %add3A_149 = arith.constant 2 : i32
      %add3A_150 = arith.addi %add3A_93, %add3A_149 : i32
      %dma_wait3A_151 = arith.constant 0 : i32
      %dma_wait3A_152 = tpu.memref_slice %arg5[%dma_wait3A_151] : memref<25600xi32, #tpu.memory_space<vmem>> -> memref<40xi32, #tpu.memory_space<vmem>>
      %dma_wait3A_153 = arith.constant 0 : i32
      %dma_wait3A_154 = arith.constant 0 : i32
      %dma_wait3A_155 = tpu.memref_slice %arg2[%dma_wait3A_153, %dma_wait3A_154] : memref<100000x512xf32, #tpu.memory_space<hbm>> -> memref<100000x512xf32, #tpu.memory_space<hbm>>
      tpu.wait_indirect_dma semaphore(%arg13 : memref<!tpu.dma_semaphore, #tpu.memory_space<semaphore_mem>>) src(%dma_wait3A_155 : memref<100000x512xf32, #tpu.memory_space<hbm>>) dst(%arg9 : memref<40x512xf32, #tpu.memory_space<vmem>>)
      %mul3A_156 = arith.constant 40 : i32
      %mul3A_157 = arith.muli %add3A_150, %mul3A_156 : i32
      %add3A_158 = arith.addi %mul3A_2, %mul3A_157 : i32
      %dma_start3A_159 = arith.constant 0 : i32
      %dma_start3A_160 = tpu.memref_slice %arg4[%add3A_158, %dma_start3A_159] : memref<819200x512xf32, #tpu.memory_space<hbm>> -> memref<40x512xf32, #tpu.memory_space<hbm>>
      %dma_start3A_161 = arith.constant 0 : i32
      %dma_start3A_162 = tpu.memref_slice %arg4[%add3A_158, %dma_start3A_161] : memref<819200x512xf32, #tpu.memory_space<hbm>> -> memref<40x512xf32, #tpu.memory_space<hbm>>
      tpu.enqueue_dma source(%arg9 : memref<40x512xf32, #tpu.memory_space<vmem>>) target(%dma_start3A_162 : memref<40x512xf32, #tpu.memory_space<hbm>>) target_semaphore(%arg17 : memref<!tpu.dma_semaphore, #tpu.memory_space<semaphore_mem>>)
      %dma_wait3A_163 = arith.constant 0 : i32
      %dma_wait3A_164 = tpu.memref_slice %arg4[%mul3A_2, %dma_wait3A_163] : memref<819200x512xf32, #tpu.memory_space<hbm>> -> memref<40x512xf32, #tpu.memory_space<hbm>>
      %dma_wait3A_165 = arith.constant 0 : i32
      %dma_wait3A_166 = tpu.memref_slice %arg4[%mul3A_2, %dma_wait3A_165] : memref<819200x512xf32, #tpu.memory_space<hbm>> -> memref<40x512xf32, #tpu.memory_space<hbm>>
      tpu.wait_dma2 semaphore(%arg16 : memref<!tpu.dma_semaphore, #tpu.memory_space<semaphore_mem>>) src(%arg8 : memref<40x512xf32, #tpu.memory_space<vmem>>) dst(%dma_wait3A_166 : memref<40x512xf32, #tpu.memory_space<hbm>>)
      %add3A_167 = arith.constant 4 : i32
      %add3A_168 = arith.addi %add3A_150, %add3A_167 : i32
      %sub3A_169 = arith.constant 1 : i32
      %sub3A_170 = arith.subi %add3A_168, %sub3A_169 : i32
      %mul3A_171 = arith.constant 40 : i32
      %mul3A_172 = arith.muli %sub3A_170, %mul3A_171 : i32
      %dma_start3A_173 = tpu.memref_slice %arg5[%mul3A_172] : memref<25600xi32, #tpu.memory_space<vmem>> -> memref<40xi32, #tpu.memory_space<vmem>>
      %dma_start3A_174 = arith.constant 0 : i32
      %dma_start3A_175 = arith.constant 0 : i32
      %dma_start3A_176 = tpu.memref_slice %arg2[%dma_start3A_174, %dma_start3A_175] : memref<100000x512xf32, #tpu.memory_space<hbm>> -> memref<100000x512xf32, #tpu.memory_space<hbm>>
      tpu.enqueue_indirect_dma source(%dma_start3A_176 : memref<100000x512xf32, #tpu.memory_space<hbm>>) target(%arg8 : memref<40x512xf32, #tpu.memory_space<vmem>>) offsets(%dma_start3A_173 : memref<40xi32, #tpu.memory_space<vmem>>) semaphore(%arg12 : memref<!tpu.dma_semaphore, #tpu.memory_space<semaphore_mem>>)
      %add3A_177 = arith.constant 3 : i32
      %add3A_178 = arith.addi %add3A_93, %add3A_177 : i32
      %dma_wait3A_179 = arith.constant 0 : i32
      %dma_wait3A_180 = tpu.memref_slice %arg5[%dma_wait3A_179] : memref<25600xi32, #tpu.memory_space<vmem>> -> memref<40xi32, #tpu.memory_space<vmem>>
      %dma_wait3A_181 = arith.constant 0 : i32
      %dma_wait3A_182 = arith.constant 0 : i32
      %dma_wait3A_183 = tpu.memref_slice %arg2[%dma_wait3A_181, %dma_wait3A_182] : memref<100000x512xf32, #tpu.memory_space<hbm>> -> memref<100000x512xf32, #tpu.memory_space<hbm>>
      tpu.wait_indirect_dma semaphore(%arg10 : memref<!tpu.dma_semaphore, #tpu.memory_space<semaphore_mem>>) src(%dma_wait3A_183 : memref<100000x512xf32, #tpu.memory_space<hbm>>) dst(%arg6 : memref<40x512xf32, #tpu.memory_space<vmem>>)
      %mul3A_184 = arith.constant 40 : i32
      %mul3A_185 = arith.muli %add3A_178, %mul3A_184 : i32
      %add3A_186 = arith.addi %mul3A_2, %mul3A_185 : i32
      %dma_start3A_187 = arith.constant 0 : i32
      %dma_start3A_188 = tpu.memref_slice %arg4[%add3A_186, %dma_start3A_187] : memref<819200x512xf32, #tpu.memory_space<hbm>> -> memref<40x512xf32, #tpu.memory_space<hbm>>
      %dma_start3A_189 = arith.constant 0 : i32
      %dma_start3A_190 = tpu.memref_slice %arg4[%add3A_186, %dma_start3A_189] : memref<819200x512xf32, #tpu.memory_space<hbm>> -> memref<40x512xf32, #tpu.memory_space<hbm>>
      tpu.enqueue_dma source(%arg6 : memref<40x512xf32, #tpu.memory_space<vmem>>) target(%dma_start3A_190 : memref<40x512xf32, #tpu.memory_space<hbm>>) target_semaphore(%arg14 : memref<!tpu.dma_semaphore, #tpu.memory_space<semaphore_mem>>)
      %dma_wait3A_191 = arith.constant 0 : i32
      %dma_wait3A_192 = tpu.memref_slice %arg4[%mul3A_2, %dma_wait3A_191] : memref<819200x512xf32, #tpu.memory_space<hbm>> -> memref<40x512xf32, #tpu.memory_space<hbm>>
      %dma_wait3A_193 = arith.constant 0 : i32
      %dma_wait3A_194 = tpu.memref_slice %arg4[%mul3A_2, %dma_wait3A_193] : memref<819200x512xf32, #tpu.memory_space<hbm>> -> memref<40x512xf32, #tpu.memory_space<hbm>>
      tpu.wait_dma2 semaphore(%arg17 : memref<!tpu.dma_semaphore, #tpu.memory_space<semaphore_mem>>) src(%arg9 : memref<40x512xf32, #tpu.memory_space<vmem>>) dst(%dma_wait3A_194 : memref<40x512xf32, #tpu.memory_space<hbm>>)
      %add3A_195 = arith.constant 4 : i32
      %add3A_196 = arith.addi %add3A_178, %add3A_195 : i32
      %sub3A_197 = arith.constant 1 : i32
      %sub3A_198 = arith.subi %add3A_196, %sub3A_197 : i32
      %mul3A_199 = arith.constant 40 : i32
      %mul3A_200 = arith.muli %sub3A_198, %mul3A_199 : i32
      %dma_start3A_201 = tpu.memref_slice %arg5[%mul3A_200] : memref<25600xi32, #tpu.memory_space<vmem>> -> memref<40xi32, #tpu.memory_space<vmem>>
      %dma_start3A_202 = arith.constant 0 : i32
      %dma_start3A_203 = arith.constant 0 : i32
      %dma_start3A_204 = tpu.memref_slice %arg2[%dma_start3A_202, %dma_start3A_203] : memref<100000x512xf32, #tpu.memory_space<hbm>> -> memref<100000x512xf32, #tpu.memory_space<hbm>>
      tpu.enqueue_indirect_dma source(%dma_start3A_204 : memref<100000x512xf32, #tpu.memory_space<hbm>>) target(%arg9 : memref<40x512xf32, #tpu.memory_space<vmem>>) offsets(%dma_start3A_201 : memref<40xi32, #tpu.memory_space<vmem>>) semaphore(%arg13 : memref<!tpu.dma_semaphore, #tpu.memory_space<semaphore_mem>>)
    }
    %scan3A_35 = arith.constant 159 : i32
    %dma_wait3A_36 = arith.constant 0 : i32
    %dma_wait3A_37 = tpu.memref_slice %arg5[%dma_wait3A_36] : memref<25600xi32, #tpu.memory_space<vmem>> -> memref<40xi32, #tpu.memory_space<vmem>>
    %dma_wait3A_38 = arith.constant 0 : i32
    %dma_wait3A_39 = arith.constant 0 : i32
    %dma_wait3A_40 = tpu.memref_slice %arg2[%dma_wait3A_38, %dma_wait3A_39] : memref<100000x512xf32, #tpu.memory_space<hbm>> -> memref<100000x512xf32, #tpu.memory_space<hbm>>
    tpu.wait_indirect_dma semaphore(%arg11 : memref<!tpu.dma_semaphore, #tpu.memory_space<semaphore_mem>>) src(%dma_wait3A_40 : memref<100000x512xf32, #tpu.memory_space<hbm>>) dst(%arg7 : memref<40x512xf32, #tpu.memory_space<vmem>>)
    %add3A_41 = arith.constant 25480 : i32
    %add3A_42 = arith.addi %mul3A_2, %add3A_41 : i32
    %dma_start3A_43 = arith.constant 0 : i32
    %dma_start3A_44 = tpu.memref_slice %arg4[%add3A_42, %dma_start3A_43] : memref<819200x512xf32, #tpu.memory_space<hbm>> -> memref<40x512xf32, #tpu.memory_space<hbm>>
    %dma_start3A_45 = arith.constant 0 : i32
    %dma_start3A_46 = tpu.memref_slice %arg4[%add3A_42, %dma_start3A_45] : memref<819200x512xf32, #tpu.memory_space<hbm>> -> memref<40x512xf32, #tpu.memory_space<hbm>>
    tpu.enqueue_dma source(%arg7 : memref<40x512xf32, #tpu.memory_space<vmem>>) target(%dma_start3A_46 : memref<40x512xf32, #tpu.memory_space<hbm>>) target_semaphore(%arg15 : memref<!tpu.dma_semaphore, #tpu.memory_space<semaphore_mem>>)
    %dma_wait3A_47 = arith.constant 0 : i32
    %dma_wait3A_48 = tpu.memref_slice %arg5[%dma_wait3A_47] : memref<25600xi32, #tpu.memory_space<vmem>> -> memref<40xi32, #tpu.memory_space<vmem>>
    %dma_wait3A_49 = arith.constant 0 : i32
    %dma_wait3A_50 = arith.constant 0 : i32
    %dma_wait3A_51 = tpu.memref_slice %arg2[%dma_wait3A_49, %dma_wait3A_50] : memref<100000x512xf32, #tpu.memory_space<hbm>> -> memref<100000x512xf32, #tpu.memory_space<hbm>>
    tpu.wait_indirect_dma semaphore(%arg12 : memref<!tpu.dma_semaphore, #tpu.memory_space<semaphore_mem>>) src(%dma_wait3A_51 : memref<100000x512xf32, #tpu.memory_space<hbm>>) dst(%arg8 : memref<40x512xf32, #tpu.memory_space<vmem>>)
    %add3A_52 = arith.constant 25520 : i32
    %add3A_53 = arith.addi %mul3A_2, %add3A_52 : i32
    %dma_start3A_54 = arith.constant 0 : i32
    %dma_start3A_55 = tpu.memref_slice %arg4[%add3A_53, %dma_start3A_54] : memref<819200x512xf32, #tpu.memory_space<hbm>> -> memref<40x512xf32, #tpu.memory_space<hbm>>
    %dma_start3A_56 = arith.constant 0 : i32
    %dma_start3A_57 = tpu.memref_slice %arg4[%add3A_53, %dma_start3A_56] : memref<819200x512xf32, #tpu.memory_space<hbm>> -> memref<40x512xf32, #tpu.memory_space<hbm>>
    tpu.enqueue_dma source(%arg8 : memref<40x512xf32, #tpu.memory_space<vmem>>) target(%dma_start3A_57 : memref<40x512xf32, #tpu.memory_space<hbm>>) target_semaphore(%arg16 : memref<!tpu.dma_semaphore, #tpu.memory_space<semaphore_mem>>)
    %dma_wait3A_58 = arith.constant 0 : i32
    %dma_wait3A_59 = tpu.memref_slice %arg5[%dma_wait3A_58] : memref<25600xi32, #tpu.memory_space<vmem>> -> memref<40xi32, #tpu.memory_space<vmem>>
    %dma_wait3A_60 = arith.constant 0 : i32
    %dma_wait3A_61 = arith.constant 0 : i32
    %dma_wait3A_62 = tpu.memref_slice %arg2[%dma_wait3A_60, %dma_wait3A_61] : memref<100000x512xf32, #tpu.memory_space<hbm>> -> memref<100000x512xf32, #tpu.memory_space<hbm>>
    tpu.wait_indirect_dma semaphore(%arg13 : memref<!tpu.dma_semaphore, #tpu.memory_space<semaphore_mem>>) src(%dma_wait3A_62 : memref<100000x512xf32, #tpu.memory_space<hbm>>) dst(%arg9 : memref<40x512xf32, #tpu.memory_space<vmem>>)
    %add3A_63 = arith.constant 25560 : i32
    %add3A_64 = arith.addi %mul3A_2, %add3A_63 : i32
    %dma_start3A_65 = arith.constant 0 : i32
    %dma_start3A_66 = tpu.memref_slice %arg4[%add3A_64, %dma_start3A_65] : memref<819200x512xf32, #tpu.memory_space<hbm>> -> memref<40x512xf32, #tpu.memory_space<hbm>>
    %dma_start3A_67 = arith.constant 0 : i32
    %dma_start3A_68 = tpu.memref_slice %arg4[%add3A_64, %dma_start3A_67] : memref<819200x512xf32, #tpu.memory_space<hbm>> -> memref<40x512xf32, #tpu.memory_space<hbm>>
    tpu.enqueue_dma source(%arg9 : memref<40x512xf32, #tpu.memory_space<vmem>>) target(%dma_start3A_68 : memref<40x512xf32, #tpu.memory_space<hbm>>) target_semaphore(%arg17 : memref<!tpu.dma_semaphore, #tpu.memory_space<semaphore_mem>>)
    %dma_wait3A_69 = arith.constant 0 : i32
    %dma_wait3A_70 = tpu.memref_slice %arg4[%mul3A_2, %dma_wait3A_69] : memref<819200x512xf32, #tpu.memory_space<hbm>> -> memref<40x512xf32, #tpu.memory_space<hbm>>
    %dma_wait3A_71 = arith.constant 0 : i32
    %dma_wait3A_72 = tpu.memref_slice %arg4[%mul3A_2, %dma_wait3A_71] : memref<819200x512xf32, #tpu.memory_space<hbm>> -> memref<40x512xf32, #tpu.memory_space<hbm>>
    tpu.wait_dma2 semaphore(%arg14 : memref<!tpu.dma_semaphore, #tpu.memory_space<semaphore_mem>>) src(%arg6 : memref<40x512xf32, #tpu.memory_space<vmem>>) dst(%dma_wait3A_72 : memref<40x512xf32, #tpu.memory_space<hbm>>)
    %dma_wait3A_73 = arith.constant 0 : i32
    %dma_wait3A_74 = tpu.memref_slice %arg4[%mul3A_2, %dma_wait3A_73] : memref<819200x512xf32, #tpu.memory_space<hbm>> -> memref<40x512xf32, #tpu.memory_space<hbm>>
    %dma_wait3A_75 = arith.constant 0 : i32
    %dma_wait3A_76 = tpu.memref_slice %arg4[%mul3A_2, %dma_wait3A_75] : memref<819200x512xf32, #tpu.memory_space<hbm>> -> memref<40x512xf32, #tpu.memory_space<hbm>>
    tpu.wait_dma2 semaphore(%arg15 : memref<!tpu.dma_semaphore, #tpu.memory_space<semaphore_mem>>) src(%arg7 : memref<40x512xf32, #tpu.memory_space<vmem>>) dst(%dma_wait3A_76 : memref<40x512xf32, #tpu.memory_space<hbm>>)
    %dma_wait3A_77 = arith.constant 0 : i32
    %dma_wait3A_78 = tpu.memref_slice %arg4[%mul3A_2, %dma_wait3A_77] : memref<819200x512xf32, #tpu.memory_space<hbm>> -> memref<40x512xf32, #tpu.memory_space<hbm>>
    %dma_wait3A_79 = arith.constant 0 : i32
    %dma_wait3A_80 = tpu.memref_slice %arg4[%mul3A_2, %dma_wait3A_79] : memref<819200x512xf32, #tpu.memory_space<hbm>> -> memref<40x512xf32, #tpu.memory_space<hbm>>
    tpu.wait_dma2 semaphore(%arg16 : memref<!tpu.dma_semaphore, #tpu.memory_space<semaphore_mem>>) src(%arg8 : memref<40x512xf32, #tpu.memory_space<vmem>>) dst(%dma_wait3A_80 : memref<40x512xf32, #tpu.memory_space<hbm>>)
    %dma_wait3A_81 = arith.constant 0 : i32
    %dma_wait3A_82 = tpu.memref_slice %arg4[%mul3A_2, %dma_wait3A_81] : memref<819200x512xf32, #tpu.memory_space<hbm>> -> memref<40x512xf32, #tpu.memory_space<hbm>>
    %dma_wait3A_83 = arith.constant 0 : i32
    %dma_wait3A_84 = tpu.memref_slice %arg4[%mul3A_2, %dma_wait3A_83] : memref<819200x512xf32, #tpu.memory_space<hbm>> -> memref<40x512xf32, #tpu.memory_space<hbm>>
    tpu.wait_dma2 semaphore(%arg17 : memref<!tpu.dma_semaphore, #tpu.memory_space<semaphore_mem>>) src(%arg9 : memref<40x512xf32, #tpu.memory_space<vmem>>) dst(%dma_wait3A_84 : memref<40x512xf32, #tpu.memory_space<hbm>>)
    return
  }
}

</mosaic_0001>

<sc_bundles>
// kernel: kernel.3.cloned.1.call-start
scs
__scs_entry_jumppad:
0x0: {  	(pc) =	sbr.rel $0x88, $3  }
0x1: {  	(tag) =	ssettag $0x0;
	lr =	simm.s32 $0x1  }
0x2: {  	[smem:$0x3F9F] =	sst lr;
	_ =	strace $0xD0000000  }
0x3: {  	_ = 	snop  }
0x4: {  	_ = 	snop  }
0x5: {  	_ = 	snop  }
0x6: {  	_ = 	snop  }
0x7: {  	_ = 	snop  }
__scs_overlays_trampoline_lowered:
0x8: {  	[smem:$0x3FAE] =	sst s0  }
0x9: {  	[smem:$0x3FAF] =	sst s1  }
0xa: {  	[smem:$0x3FB0] =	sst s2  }
0xb: {  	[smem:$0x3FB1] =	sst s3  }
0xc: {  	[smem:$0x3FB2] =	sst s4  }
0xd: {  	[smem:$0x3FB3] =	sst s5  }
0xe: {  	[smem:$0x3FB4] =	sst s6  }
0xf: {  	[smem:$0x3FB5] =	sst s7  }
0x10: {  	[smem:$0x3FB6] =	sst s8  }
0x11: {  	[smem:$0x3FB7] =	sst s9;
	s0 =	simm.s32 @!p0 $0x0  }
0x12: {  	s1 =	sld [smem:$0x3F9D];
	s0 =	simm.s32 @p0 $0x1  }
0x13: {  	[smem:$0x3FB8] =	sst s0;
	s0 =	simm.s32 @!p1 $0x0  }
0x14: {  	s2 =	sld [smem:$0x3F9C];
	s0 =	simm.s32 @p1 $0x1  }
0x15: {  	[smem:$0x3FB9] =	sst s0;
	s0 =	simm.s32 @!p2 $0x0  }
0x16: {  	s3 =	sld [smem:$0x3FDB];
	s0 =	simm.s32 @p2 $0x1  }
0x17: {  	s4 =	simm.s32 $0x1BF5;
	[smem:$0x3FBB] =	sst s0  }
0x18: {  	s0 =	sld [smem:$0x3F9E];
	_ =	swait.ge [sflag:s4], $0x0  }
0x19: {  	s7 =	sld [smem:$0x3F9F]  }
0x1a: {  	s8 =	sadd.s32 $0xFFFFE003, lr  }
0x1b: {  	s9 =	sadd.s32 $0xFFFFFEF7, lr;
	s5 =	simm.s32 $0xFFFFFFFF;
	p2 =	slt.u32 s8, $0xFFFFF086  }
0x1c: {  	p1 =	slt.u32 s9, $0xF7A;
	s5 =	simm.s32 @!p2 $0x0  }
0x1d: {  	s5 =	simm.s32 @p1 $0x1;
	p0 =	seq.s32 s7, s2  }
0x1e: {  	s7 =	smul.u32 @!p0 $0xF7A, s2;
	p2 =	seq.s32 @!p0 s5, $0x0  }
0x1f: {  	s9 =	smul.u32 $0xF7A, s1;
	s8 =	simm.s32 @!p0 $0x1BF5;
	p2 =	por !p2, p0  }
0x20: {  	[sflag:s8] =	ssyncset.s32 @!p0 $0xFFFFF086;
	s6 =	sadd.s32 @!p0 s3, s7;
	s7 =	simm.s32 @!p0 $0x108  }
0x21: {  	s3 =	sadd.s32 s3, s9;
	s6 =	sadd.s32 @!p0 $0x88, s6;
	s7 =	simm.s32 @p2 $0x1082  }
0x22: {  	[simem:s7], [sflag:s8] =	dma.local @!p0 [hbm:s6], $0xF7A  }
0x23: {  	s9 =	sor.u32 $0xD0000000, s2;
	s6 =	simm.s32 $0x108;
	_ =	swait.ge @!p0 [sflag:s8], $0x0  }
0x24: {  	s3 =	sadd.s32 $0x88, s3;
	s6 =	simm.s32 @!p1 $0x1082;
	[sflag:s4] =	ssyncset.s32 $0xFFFFF086  }
0x25: {  	[simem:s6], [sflag:s4] =	dma.local [hbm:s3], $0xF7A  }
0x26: {  	[smem:$0x3F9F] =	sst s1;
	(tag) =	ssettag s2;
	_ =	strace s9  }
0x27: {  	s1 =	sld [smem:$0x3FAF]  }
0x28: {  	s2 =	sld [smem:$0x3FB0]  }
0x29: {  	s4 =	sld [smem:$0x3FB2]  }
0x2a: {  	p0 =	seq.s32 s5, $0x0;
	s5 =	sld [smem:$0x3FB3]  }
0x2b: {  	s6 =	sld [smem:$0x3FB4]  }
0x2c: {  	s7 =	sld [smem:$0x3FB5]  }
0x2d: {  	s3 =	simm.s32 $0x108;
	s8 =	sld [smem:$0x3FB6]  }
0x2e: {  	s3 =	simm.s32 @!p0 $0x1082;
	s9 =	sld [smem:$0x3FB7]  }
0x2f: {  	lr =	sadd.s32 s0, s3;
	s0 =	sld [smem:$0x3FAE]  }
0x30: {  	s3 =	sld [smem:$0x3FB1]  }
0x31: {  	[smem:$0x3FBA] =	sst s10  }
0x32: {  	s10 =	sld [smem:$0x3FB8];
	_ =	sdelay $0x3  }
0x33: {  	p0 =	seq.s32 s10, $0x1;
	s10 =	sld [smem:$0x3FBA];
	_ =	sdelay $0x3  }
0x34: {  	[smem:$0x3FBA] =	sst s10  }
0x35: {  	s10 =	sld [smem:$0x3FB9];
	_ =	sdelay $0x3  }
0x36: {  	p1 =	seq.s32 s10, $0x1;
	s10 =	sld [smem:$0x3FBA];
	_ =	sdelay $0x3  }
0x37: {  	[smem:$0x3FBA] =	sst s10  }
0x38: {  	s10 =	sld [smem:$0x3FBB]  }
0x39: {  	_ = 	snop;
	(pc) =	sbr.ind lr, $3  }
0x3a: {  	_ = 	snop  }
0x3b: {  	_ = 	snop  }
0x3c: {  	p2 =	seq.s32 s10, $0x1;
	s10 =	sld [smem:$0x3FBA]  }
0x3d: {  	_ =	shalt  }
0x3e: {  	_ =	shalt  }
0x3f: {  	_ =	shalt  }
0x40: {  	_ =	shalt  }
0x41: {  	_ =	shalt  }
0x42: {  	_ =	shalt  }
0x43: {  	_ =	shalt  }
0x44: {  	_ =	shalt  }
0x45: {  	_ =	shalt  }
0x46: {  	_ =	shalt  }
0x47: {  	_ =	shalt  }
0x48: {  	_ =	shalt  }
0x49: {  	_ =	shalt  }
0x4a: {  	_ =	shalt  }
0x4b: {  	_ =	shalt  }
0x4c: {  	_ =	shalt  }
0x4d: {  	_ =	shalt  }
0x4e: {  	_ =	shalt  }
0x4f: {  	_ =	shalt  }
0x50: {  	_ =	shalt  }
0x51: {  	_ =	shalt  }
0x52: {  	_ =	shalt  }
0x53: {  	_ =	shalt  }
0x54: {  	_ =	shalt  }
0x55: {  	_ =	shalt  }
0x56: {  	_ =	shalt  }
0x57: {  	_ =	shalt  }
0x58: {  	_ =	shalt  }
0x59: {  	_ =	shalt  }
0x5a: {  	_ =	shalt  }
0x5b: {  	_ =	shalt  }
0x5c: {  	_ =	shalt  }
0x5d: {  	_ =	shalt  }
0x5e: {  	_ =	shalt  }
0x5f: {  	_ =	shalt  }
0x60: {  	_ =	shalt  }
0x61: {  	_ =	shalt  }
0x62: {  	_ =	shalt  }
0x63: {  	_ =	shalt  }
0x64: {  	_ =	shalt  }
0x65: {  	_ =	shalt  }
0x66: {  	_ =	shalt  }
0x67: {  	_ =	shalt  }
0x68: {  	_ =	shalt  }
0x69: {  	_ =	shalt  }
0x6a: {  	_ =	shalt  }
0x6b: {  	_ =	shalt  }
0x6c: {  	_ =	shalt  }
0x6d: {  	_ =	shalt  }
0x6e: {  	_ =	shalt  }
0x6f: {  	_ =	shalt  }
0x70: {  	_ =	shalt  }
0x71: {  	_ =	shalt  }
0x72: {  	_ =	shalt  }
0x73: {  	_ =	shalt  }
0x74: {  	_ =	shalt  }
0x75: {  	_ =	shalt  }
0x76: {  	_ =	shalt  }
0x77: {  	_ =	shalt  }
0x78: {  	_ =	shalt  }
0x79: {  	_ =	shalt  }
0x7a: {  	_ =	shalt  }
0x7b: {  	_ =	shalt  }
0x7c: {  	_ =	shalt  }
0x7d: {  	_ =	shalt  }
0x7e: {  	_ =	shalt  }
0x7f: {  	_ =	shalt  }
0x80: {  	_ =	shalt  }
0x81: {  	_ =	shalt  }
0x82: {  	_ =	shalt  }
0x83: {  	_ =	shalt  }
0x84: {  	_ =	shalt  }
0x85: {  	_ =	shalt  }
0x86: {  	_ =	shalt  }
0x87: {  	_ =	shalt  }
.Lfunc_end0:
.L_simem_size_0:
called_computation_lowered:
.L_overlay_start_0:
0x88: {  	s2 =	sld [smem:$0x3FD9]  }
0x89: {  	s3 =	sld [smem:$0x3FFE];
	_ =	sdelay $0x1  }
0x8a: {  	s1 =	srdreg.scid  }
0x8b: {  	s0 =	sand.u32 $0x1, s1  }
0x8c: {  	s17 =	sshll.u32 s0, $0xA;
	s2 =	sadd.s32 s3, s2  }
0x8d: {  	s2 =	sadd.s32 s2, s17  }
0x8e: {  	[smem:$0x3FC6] =	sst s2  }
0x8f: {  	_ = 	snop  }
0x90: {  	s2 =	sld [smem:$0x3FC8]  }
0x91: {  	s18 =	sld [smem:$0x3FD0];
	(tm) =	ssettm $0x1  }
0x92: {  	s4 =	sld [smem:$0x3FFB];
	_ =	sdelay $0x3  }
0x93: {  	_ =	strace s4  }
0x94: {  	s4 =	sld [smem:$0x3FFC];
	_ =	sdelay $0x3  }
0x95: {  	_ =	strace s4  }
0x96: {  	s4 =	sld [smem:$0x3FFD];
	_ =	sdelay $0x3  }
0x97: {  	_ =	strace s4  }
0x98: {  	_ =	strace $0x8FFFFFFF  }
0x99: {  	s19 =	sld [smem:$0x3FDB];
	_ =	sdelay $0x1  }
0x9a: {  	s5 =	simm.s32 $_scs_section_size  }
0x9b: {  	s6 =	simm.s32 $_size__tile_overlayer_lowered;
	s7 =	simm.s32 $_tile_overlayer_lowered  }
0x9c: {  	s22 =	simm.s32 $0x1BFF;
	s21 =	sshll.u32 s7, $0x1;
	s4 =	sadd.s32 s5, s19  }
0x9d: {  	s8 =	simm.s32 $0x0;
	s20 =	sshll.u32 s6, $0x1;
	s6 =	sadd.s32 s21, s4  }
0x9e: {  	[timem:s8], [sflag:s22] =	dma.local [hbm:s6], s20  }
0x9f: {  	_ =	swait.ge [sflag:s22], s20  }
0xa0: {  	s5 =	ssub.s32 $0x0, s20;
	[sflag:s22] =	ssyncset.done $0x0  }
0xa1: {  	[sflag:s22] =	ssyncadd.s32 s5;
	_ =	sdelay $0x1  }
0xa2: {  	s23 =	simm.s32 $0x1B8B  }
0xa3: {  	_ =	swait.ge [sflag:s23], $0x1  }
0xa4: {  	[sflag:s23] =	ssyncset.done $0x0  }
0xa5: {  	s25 =	simm.s32 $0x1B8E;
	s24 =	sld [smem:$0x3FFE];
	[sflag:s23] =	ssyncadd.s32 $0xFFFFFFFF  }
0xa6: {  	s26 =	simm.s32 $execute0_lowered;
	[smem:$0x3FD2] =	sst s25  }
0xa7: {  	s6 =	sshll.u32 s26, $0x1;
	_ =	strace $0x80000046;
	[dreg:$0x1] =	wrdreg $0xFFFFFFFF  }
0xa8: {  	s28 =	simm.s32 $_size_execute0_lowered;
	s4 =	sadd.s32 s4, s6;
	[dreg:$0x0] =	wrdreg $0x0  }
0xa9: {  	s6 =	sshll.u32 s28, $0x1;
	[dreg:$0x2] =	wrdreg s4  }
0xaa: {  	[dreg:$0x3] =	wrdreg s6  }
0xab: {  	[dreg:$0x4] =	wrdreg $0xC0  }
0xac: {  	_ =	task [dreg:s8], $0x5FFFF  }
0xad: {  	[dreg:$0x1] =	wrdreg $0xFFFFFFFF  }
0xae: {  	[dreg:$0x0] =	wrdreg $0x60  }
0xaf: {  	[dreg:$0x2] =	wrdreg s2  }
0xb0: {  	[dreg:$0x3] =	wrdreg s24  }
0xb1: {  	[dreg:$0x4] =	wrdreg s18  }
0xb2: {  	[dreg:$0x5] =	wrdreg $0x9  }
0xb3: {  	_ =	task.clear_ibuf [dreg:s8], $0x6FFFF;
	_ =	strace $0x90000046  }
0xb4: {  	s29 =	simm.s32 $0x9;
	_ =	strace $0x80000048  }
0xb5: {  	_ =	swait.ge [sflag:s29], $0x1  }
0xb6: {  	[sflag:s29] =	ssyncadd.s32 $0xFFFFFFFF  }
0xb7: {  	_ =	strace $0x90000048  }
0xb8: {  	_ =	sfence  }
0xb9: {  	s30 =	sld [smem:$0x0];
	_ =	sdelay $0x2  }
0xba: {  	s31 =	sshll.u32 s1, $0xD;
	s1 =	sshrl.u32 s1, $0x2  }
0xbb: {  	s3 =	sand.u32 $0x4000, s31;
	s1 =	sadd.s32 s1, s30  }
0xbc: {  	s0 =	sor.u32 s3, s0;
	s1 =	sshll.u32 s1, $0x11  }
0xbd: {  	s0 =	sor.u32 s1, s0  }
0xbe: {  	s0 =	sadd.s32 $0x8F2B, s0  }
0xbf: {  	[sflag:s0] =	ssyncadd.remote.s32 $0x1  }
0xc0: {  	_ =	sfence.sel $0xFFFF  }
0xc1: {  	[dreg:$0x0] =	wrdreg $0xFFFFFFFF;
	(pc) =	sbr.abs _section_cstart, $3  }
0xc2: {  	[dreg:$0x1] =	wrdreg $0xFFFFFFFF  }
0xc3: {  	_ =	task.clear_ibuf [dreg:s8], $0x2FFFF;
	_ =	strace $0x9FFFFFFF  }
0xc4: {  	(tm) =	ssettm $0x7FFFFFFF  }
0xc5: {  	_ =	shalt  }
tec
execute0_lowered:
.L_overlay_start_1:
0x0: {  	(tag) =	ssettag $0x1  }
0x1: {  	s1 =	rddreg [dreg:$0x0]  }
0x2: {  	s0 =	srdreg.scid;
	s2 =	rddreg [dreg:$0x1]  }
0x3: {  	s9 =	stileid.u32;
	s4 =	rddreg [dreg:$0x2]  }
0x4: {  	s10 =	simm.s32 $0x7C00;
	s11 =	simm.s32 $0x8400;
	s13 =	simm.s32 $0x8C00  }
0x5: {  	s14 =	simm.s32 $0x9400;
	s18 =	simm.s32 $0xA400;
	s19 =	simm.s32 $0xAC00  }
0x6: {  	s12 =	simm.s32 $0xD400;
	s17 =	simm.s32 $0x10400;
	s15 =	simm.s32 $0x1  }
0x7: {  	s16 =	simm.s32 $0x15400;
	s28 =	simm.s32 $0x2;
	s29 =	simm.s32 $0x5  }
0x8: {  	s0 =	sand.u32 $0x1, s0;
	s3 =	sshll.u32 s9, $0x1;
	s23 =	smul.u32 $0x320000, s9  }
0x9: {  	s5 =	sor.u32 s0, s3;
	s7 =	ssub.s32 $0x2, s0;
	s0 =	smul.u32 $0x190000, s0  }
0xa: {  	s30 =	simm.s32 $0x3;
	s31 =	simm.s32 $0x6;
	s6 =	smul.u32 $0x6400, s5  }
0xb: {  	s9 =	simm.s32 $0x7400;
	s3 =	simm.s32 $0x0;
	s8 =	smul.u32 $0xC80000, s5  }
0xc: {  	[smem:$0x7FF] =	sst s3;
	s20 =	sshrl.u32 s7, $0x1;
	s21 =	smul.u32 $0x190000, s5  }
0xd: {  	s5 =	sadd.s32 $0x100, s1;
	_ =	strace $0x80000047;
	s6 =	sshrl.u32 s6, $0x3  }
0xe: {  	s22 =	sshrl.u32 s8, $0x3;
	s8 =	simm.s32 $0x6C00;
	s2 =	sadd.s32 s6, s2  }
0xf: {  	s6 =	ssub.s32 s7, s20;
	s24 =	sadd.s32 s4, s22;
	s2 =	sadd.s32 $0x400, s2  }
0x10: {  	s22 =	simm.s32 $0x6400;
	s7 =	sadd.s32 $0x18E200, s24;
	[dreg:$0x5] =	wrdreg s2  }
0x11: {  	s20 =	simm.s32 $0xBC00;
	s25 =	sadd.s32 $0x18EC00, s24;
	[dreg:$0x7] =	wrdreg s7  }
0x12: {  	s26 =	smax.u32 s6, $0x1;
	s6 =	simm.s32 $0x8;
	[dreg:$0x8] =	wrdreg s25  }
0x13: {  	s2 =	sadd.s32 s4, s21;
	s4 =	sadd.s32 s23, s4;
	[dreg:$0xa] =	wrdreg s26  }
0x14: {  	s26 =	simm.s32 $0x9C00;
	s21 =	simm.s32 $0xC400;
	s23 =	simm.s32 $0xCC00  }
0x15: {  	s25 =	simm.s32 $0xE400;
	s7 =	simm.s32 $0x0;
	[dreg:$0x6] =	wrdreg s2  }
0x16: {  	v2 =	vlaneseq.u32;
	s2 =	sadd.s32 $0x18F600, s24;
	s0 =	sadd.s32 s0, s4;
	[dreg:$0xb] =	wrdreg s7  }
0x17: {  	vm0 =	vmmov $0xffff;
	v1 =	vshrl.u32 v2, $0x3;
	s24 =	simm.s32 $0xDC00;
	s4 =	simm.s32 $0x7;
	[dreg:$0x9] =	wrdreg s2  }
0x18: {  	v0 =	vand.u32 $0x7, v2;
	v2 =	vor.u32 $0x8, v2;
	v1 =	vmul.u32 $0x8, v1;
	[dreg:$0x4] =	wrdreg s0;
	s0 =	simm.s32 $0xB400;
	s2 =	simm.s32 $0x4  }
.LBB2_1:
0x19: {  	s7 =	rddreg [dreg:$0x5]  }
0x1a: {  	[tilespmem:s3], [sflag:$0x9] =	stream.linear.gather [hbm4b:s7+s3], $0x6400, $0x38;
	[tilespmem:$0x1A400] =	vst v63  }
0x1b: {  	s7 =	simm.s32 $0x9  }
0x1c: {  	_ =	swait.ge [sflag:s7], $0x6400  }
0x1d: {  	[sflag:s7] =	ssyncset.done $0x0  }
0x1e: {  	[sflag:s7] =	ssyncadd.s32 $0xFFFF9C00  }
0x1f: {  	v3 =	vld [tilespmem:$0x0];
	_ =	sdelay $0x4  }
0x20: {  	v4 =	vshll.u32 v3, $0x2  }
0x21: {  	v3 =	vand.u32 $0x7, v3;
	v4 =	vand.u32 $0xFFFFFFE0, v4  }
0x22: {  	v3 =	vor.u32 v3, v4  }
0x23: {  	v4 =	vperm.xlane v3, v0;
	_ =	sdelay $0x1  }
0x24: {  	v4 =	vadd.s32 v1, v4;
	_ =	sdelay $0x1  }
0x25: {  	v3 =	vperm.xlane v3, v2;
	_ =	sdelay $0x1  }
0x26: {  	v3 =	vadd.s32 v1, v3  }
0x27: {  	[tilespmem:s22], [sflag:$0x1] =	stream.indirect_vreg.gather [hbm4b:s1+s3], $0x80, v4, vm0, $0xb8;
	[tilespmem:$0x1A400] =	vst v63  }
0x28: {  	_ = 	snop  }
0x29: {  	[tilespmem:s8], [sflag:$0x1] =	stream.indirect_vreg.gather [hbm4b:s5+s3], $0x80, v4, vm0, $0xb8;
	[tilespmem:$0x1A400] =	vst v63  }
0x2a: {  	_ = 	snop  }
0x2b: {  	[tilespmem:s9], [sflag:$0x1] =	stream.indirect_vreg.gather [hbm4b:s1+s3], $0x80, v3, vm0, $0xb8;
	[tilespmem:$0x1A400] =	vst v63  }
0x2c: {  	_ = 	snop  }
0x2d: {  	[tilespmem:s10], [sflag:$0x1] =	stream.indirect_vreg.gather [hbm4b:s5+s3], $0x80, v3, vm0, $0xb8;
	[tilespmem:$0x1A400] =	vst v63  }
0x2e: {  	v3 =	vld [tilespmem:$0x10];
	_ =	sdelay $0x4  }
0x2f: {  	v53 =	vshll.u32 v3, $0x2  }
0x30: {  	v3 =	vand.u32 $0x7, v3;
	v4 =	vand.u32 $0xFFFFFFE0, v53  }
0x31: {  	v3 =	vor.u32 v3, v4  }
0x32: {  	v4 =	vperm.xlane v3, v0;
	_ =	sdelay $0x1  }
0x33: {  	v4 =	vadd.s32 v1, v4;
	_ =	sdelay $0x1  }
0x34: {  	v3 =	vperm.xlane v3, v2;
	_ =	sdelay $0x1  }
0x35: {  	v3 =	vadd.s32 v1, v3  }
0x36: {  	[tilespmem:s11], [sflag:$0x1] =	stream.indirect_vreg.gather [hbm4b:s1+s3], $0x80, v4, vm0, $0xb8;
	[tilespmem:$0x1A400] =	vst v63  }
0x37: {  	_ = 	snop  }
0x38: {  	[tilespmem:s13], [sflag:$0x1] =	stream.indirect_vreg.gather [hbm4b:s5+s3], $0x80, v4, vm0, $0xb8;
	[tilespmem:$0x1A400] =	vst v63  }
0x39: {  	_ = 	snop  }
0x3a: {  	[tilespmem:s14], [sflag:$0x1] =	stream.indirect_vreg.gather [hbm4b:s1+s3], $0x80, v3, vm0, $0xb8;
	[tilespmem:$0x1A400] =	vst v63  }
0x3b: {  	_ = 	snop  }
0x3c: {  	[tilespmem:s26], [sflag:$0x1] =	stream.indirect_vreg.gather [hbm4b:s5+s3], $0x80, v3, vm0, $0xb8;
	[tilespmem:$0x1A400] =	vst v63  }
0x3d: {  	v3 =	vld.msk [tilespmem:$0x20], $0xff;
	_ =	sdelay $0x4  }
0x3e: {  	v54 =	vshll.u32 v3, $0x2  }
0x3f: {  	v3 =	vand.u32 $0x7, v3;
	v4 =	vand.u32 $0xFFFFFFE0, v54  }
0x40: {  	v3 =	vor.u32 v3, v4  }
0x41: {  	v3 =	vperm.xlane v3, v0;
	_ =	sdelay $0x1  }
0x42: {  	v3 =	vadd.s32 v1, v3;
	_ =	sdelay $0x4  }
0x43: {  	[tilespmem:s18], [sflag:$0x1] =	stream.indirect_vreg.gather [hbm4b:s1+s3], $0x80, v3, vm0, $0xb8;
	[tilespmem:$0x1A400] =	vst v63  }
0x44: {  	_ = 	snop  }
0x45: {  	[tilespmem:s19], [sflag:$0x1] =	stream.indirect_vreg.gather [hbm4b:s5+s3], $0x80, v3, vm0, $0xb8;
	[tilespmem:$0x1A400] =	vst v63  }
0x46: {  	v3 =	vld [tilespmem:$0x28];
	_ =	sdelay $0x4  }
0x47: {  	v55 =	vshll.u32 v3, $0x2  }
0x48: {  	v3 =	vand.u32 $0x7, v3;
	v4 =	vand.u32 $0xFFFFFFE0, v55  }
0x49: {  	v3 =	vor.u32 v3, v4  }
0x4a: {  	v4 =	vperm.xlane v3, v0;
	_ =	sdelay $0x1  }
0x4b: {  	v4 =	vadd.s32 v1, v4;
	_ =	sdelay $0x1  }
0x4c: {  	v3 =	vperm.xlane v3, v2;
	_ =	sdelay $0x1  }
0x4d: {  	v3 =	vadd.s32 v1, v3  }
0x4e: {  	[tilespmem:s0], [sflag:$0x2] =	stream.indirect_vreg.gather [hbm4b:s1+s3], $0x80, v4, vm0, $0xb8;
	[tilespmem:$0x1A400] =	vst v63  }
0x4f: {  	_ = 	snop  }
0x50: {  	[tilespmem:s20], [sflag:$0x2] =	stream.indirect_vreg.gather [hbm4b:s5+s3], $0x80, v4, vm0, $0xb8;
	[tilespmem:$0x1A400] =	vst v63  }
0x51: {  	_ = 	snop  }
0x52: {  	[tilespmem:s21], [sflag:$0x2] =	stream.indirect_vreg.gather [hbm4b:s1+s3], $0x80, v3, vm0, $0xb8;
	[tilespmem:$0x1A400] =	vst v63  }
0x53: {  	_ = 	snop  }
0x54: {  	[tilespmem:s23], [sflag:$0x2] =	stream.indirect_vreg.gather [hbm4b:s5+s3], $0x80, v3, vm0, $0xb8;
	[tilespmem:$0x1A400] =	vst v63  }
0x55: {  	v3 =	vld [tilespmem:$0x38];
	_ =	sdelay $0x4  }
0x56: {  	v56 =	vshll.u32 v3, $0x2  }
0x57: {  	v3 =	vand.u32 $0x7, v3;
	v4 =	vand.u32 $0xFFFFFFE0, v56  }
0x58: {  	v3 =	vor.u32 v3, v4  }
0x59: {  	v4 =	vperm.xlane v3, v0;
	_ =	sdelay $0x1  }
0x5a: {  	v4 =	vadd.s32 v1, v4;
	_ =	sdelay $0x1  }
0x5b: {  	v3 =	vperm.xlane v3, v2;
	_ =	sdelay $0x1  }
0x5c: {  	v3 =	vadd.s32 v1, v3  }
0x5d: {  	[tilespmem:s12], [sflag:$0x2] =	stream.indirect_vreg.gather [hbm4b:s1+s3], $0x80, v4, vm0, $0xb8;
	[tilespmem:$0x1A400] =	vst v63  }
0x5e: {  	_ = 	snop  }
0x5f: {  	[tilespmem:s24], [sflag:$0x2] =	stream.indirect_vreg.gather [hbm4b:s5+s3], $0x80, v4, vm0, $0xb8;
	[tilespmem:$0x1A400] =	vst v63  }
0x60: {  	_ = 	snop  }
0x61: {  	[tilespmem:s25], [sflag:$0x2] =	stream.indirect_vreg.gather [hbm4b:s1+s3], $0x80, v3, vm0, $0xb8;
	[tilespmem:$0x1A400] =	vst v63  }
0x62: {  	s25 =	simm.s32 $0xEC00  }
0x63: {  	[tilespmem:s25], [sflag:$0x2] =	stream.indirect_vreg.gather [hbm4b:s5+s3], $0x80, v3, vm0, $0xb8;
	[tilespmem:$0x1A400] =	vst v63  }
0x64: {  	v3 =	vld.msk [tilespmem:$0x48], $0xff;
	_ =	sdelay $0x4  }
0x65: {  	v57 =	vshll.u32 v3, $0x2  }
0x66: {  	v3 =	vand.u32 $0x7, v3;
	v4 =	vand.u32 $0xFFFFFFE0, v57  }
0x67: {  	v3 =	vor.u32 v3, v4  }
0x68: {  	v3 =	vperm.xlane v3, v0;
	_ =	sdelay $0x1  }
0x69: {  	v3 =	vadd.s32 v1, v3;
	_ =	sdelay $0x3  }
0x6a: {  	s26 =	simm.s32 $0xF400  }
0x6b: {  	[tilespmem:s26], [sflag:$0x2] =	stream.indirect_vreg.gather [hbm4b:s1+s3], $0x80, v3, vm0, $0xb8;
	[tilespmem:$0x1A400] =	vst v63  }
0x6c: {  	s7 =	simm.s32 $0xFC00  }
0x6d: {  	[tilespmem:s7], [sflag:$0x2] =	stream.indirect_vreg.gather [hbm4b:s5+s3], $0x80, v3, vm0, $0xb8;
	[tilespmem:$0x1A400] =	vst v63  }
0x6e: {  	v3 =	vld [tilespmem:$0x50];
	_ =	sdelay $0x4  }
0x6f: {  	v58 =	vshll.u32 v3, $0x2  }
0x70: {  	v3 =	vand.u32 $0x7, v3;
	v4 =	vand.u32 $0xFFFFFFE0, v58  }
0x71: {  	v3 =	vor.u32 v3, v4  }
0x72: {  	v4 =	vperm.xlane v3, v0;
	_ =	sdelay $0x1  }
0x73: {  	v4 =	vadd.s32 v1, v4;
	_ =	sdelay $0x1  }
0x74: {  	v3 =	vperm.xlane v3, v2;
	_ =	sdelay $0x1  }
0x75: {  	v3 =	vadd.s32 v1, v3  }
0x76: {  	[tilespmem:s17], [sflag:$0x3] =	stream.indirect_vreg.gather [hbm4b:s1+s3], $0x80, v4, vm0, $0xb8;
	[tilespmem:$0x1A400] =	vst v63  }
0x77: {  	s8 =	simm.s32 $0x10C00  }
0x78: {  	[tilespmem:s8], [sflag:$0x3] =	stream.indirect_vreg.gather [hbm4b:s5+s3], $0x80, v4, vm0, $0xb8;
	[tilespmem:$0x1A400] =	vst v63  }
0x79: {  	s9 =	simm.s32 $0x11400  }
0x7a: {  	[tilespmem:s9], [sflag:$0x3] =	stream.indirect_vreg.gather [hbm4b:s1+s3], $0x80, v3, vm0, $0xb8;
	[tilespmem:$0x1A400] =	vst v63  }
0x7b: {  	s10 =	simm.s32 $0x11C00  }
0x7c: {  	[tilespmem:s10], [sflag:$0x3] =	stream.indirect_vreg.gather [hbm4b:s5+s3], $0x80, v3, vm0, $0xb8;
	[tilespmem:$0x1A400] =	vst v63  }
0x7d: {  	v3 =	vld [tilespmem:$0x60];
	_ =	sdelay $0x4  }
0x7e: {  	v59 =	vshll.u32 v3, $0x2  }
0x7f: {  	v3 =	vand.u32 $0x7, v3;
	v4 =	vand.u32 $0xFFFFFFE0, v59  }
0x80: {  	v3 =	vor.u32 v3, v4  }
0x81: {  	v4 =	vperm.xlane v3, v0;
	_ =	sdelay $0x1  }
0x82: {  	v4 =	vadd.s32 v1, v4;
	_ =	sdelay $0x1  }
0x83: {  	v3 =	vperm.xlane v3, v2;
	_ =	sdelay $0x1  }
0x84: {  	s11 =	simm.s32 $0x12400;
	v3 =	vadd.s32 v1, v3  }
0x85: {  	[tilespmem:s11], [sflag:$0x3] =	stream.indirect_vreg.gather [hbm4b:s1+s3], $0x80, v4, vm0, $0xb8;
	[tilespmem:$0x1A400] =	vst v63  }
0x86: {  	s12 =	simm.s32 $0x12C00  }
0x87: {  	[tilespmem:s12], [sflag:$0x3] =	stream.indirect_vreg.gather [hbm4b:s5+s3], $0x80, v4, vm0, $0xb8;
	[tilespmem:$0x1A400] =	vst v63  }
0x88: {  	s13 =	simm.s32 $0x13400  }
0x89: {  	[tilespmem:s13], [sflag:$0x3] =	stream.indirect_vreg.gather [hbm4b:s1+s3], $0x80, v3, vm0, $0xb8;
	[tilespmem:$0x1A400] =	vst v63  }
0x8a: {  	s14 =	simm.s32 $0x13C00  }
0x8b: {  	[tilespmem:s14], [sflag:$0x3] =	stream.indirect_vreg.gather [hbm4b:s5+s3], $0x80, v3, vm0, $0xb8;
	[tilespmem:$0x1A400] =	vst v63  }
0x8c: {  	v3 =	vld.msk [tilespmem:$0x70], $0xff;
	_ =	sdelay $0x4  }
0x8d: {  	v60 =	vshll.u32 v3, $0x2  }
0x8e: {  	v3 =	vand.u32 $0x7, v3;
	v4 =	vand.u32 $0xFFFFFFE0, v60  }
0x8f: {  	v3 =	vor.u32 v3, v4  }
0x90: {  	v3 =	vperm.xlane v3, v0;
	_ =	sdelay $0x1  }
0x91: {  	v3 =	vadd.s32 v1, v3;
	_ =	sdelay $0x3  }
0x92: {  	s17 =	simm.s32 $0x14400  }
0x93: {  	[tilespmem:s17], [sflag:$0x3] =	stream.indirect_vreg.gather [hbm4b:s1+s3], $0x80, v3, vm0, $0xb8;
	[tilespmem:$0x1A400] =	vst v63  }
0x94: {  	s18 =	simm.s32 $0x14C00  }
0x95: {  	[tilespmem:s18], [sflag:$0x3] =	stream.indirect_vreg.gather [hbm4b:s5+s3], $0x80, v3, vm0, $0xb8;
	[tilespmem:$0x1A400] =	vst v63  }
0x96: {  	_ =	swait.ge [sflag:s15], $0x5000  }
0x97: {  	[sflag:s15] =	ssyncset.done $0x0  }
0x98: {  	s19 =	rddreg [dreg:$0x6];
	[sflag:s15] =	ssyncadd.s32 $0xFFFFB000  }
0x99: {  	[hbm4b:s19+s3] =	stream.linear.scatter [tilespmem:s22], [sflag:$0x5], $0x5000, $0x38;
	[tilespmem:$0x1A400] =	vst v63  }
0x9a: {  	v3 =	vld [tilespmem:$0x78];
	_ =	sdelay $0x4  }
0x9b: {  	v61 =	vshll.u32 v3, $0x2  }
0x9c: {  	v3 =	vand.u32 $0x7, v3;
	v4 =	vand.u32 $0xFFFFFFE0, v61  }
0x9d: {  	v3 =	vor.u32 v3, v4  }
0x9e: {  	v4 =	vperm.xlane v3, v0;
	_ =	sdelay $0x1  }
0x9f: {  	v4 =	vadd.s32 v1, v4;
	_ =	sdelay $0x1  }
0xa0: {  	v3 =	vperm.xlane v3, v2;
	_ =	sdelay $0x1  }
0xa1: {  	v3 =	vadd.s32 v1, v3  }
0xa2: {  	[tilespmem:s16], [sflag:$0x4] =	stream.indirect_vreg.gather [hbm4b:s1+s3], $0x80, v4, vm0, $0xb8;
	[tilespmem:$0x1A400] =	vst v63  }
0xa3: {  	s20 =	simm.s32 $0x15C00  }
0xa4: {  	[tilespmem:s20], [sflag:$0x4] =	stream.indirect_vreg.gather [hbm4b:s5+s3], $0x80, v4, vm0, $0xb8;
	[tilespmem:$0x1A400] =	vst v63  }
0xa5: {  	s21 =	simm.s32 $0x16400  }
0xa6: {  	[tilespmem:s21], [sflag:$0x4] =	stream.indirect_vreg.gather [hbm4b:s1+s3], $0x80, v3, vm0, $0xb8;
	[tilespmem:$0x1A400] =	vst v63  }
0xa7: {  	s22 =	simm.s32 $0x16C00  }
0xa8: {  	[tilespmem:s22], [sflag:$0x4] =	stream.indirect_vreg.gather [hbm4b:s5+s3], $0x80, v3, vm0, $0xb8;
	[tilespmem:$0x1A400] =	vst v63  }
0xa9: {  	v3 =	vld [tilespmem:$0x88];
	_ =	sdelay $0x4  }
0xaa: {  	v62 =	vshll.u32 v3, $0x2  }
0xab: {  	v3 =	vand.u32 $0x7, v3;
	v4 =	vand.u32 $0xFFFFFFE0, v62  }
0xac: {  	v3 =	vor.u32 v3, v4  }
0xad: {  	v4 =	vperm.xlane v3, v0;
	_ =	sdelay $0x1  }
0xae: {  	v4 =	vadd.s32 v1, v4;
	_ =	sdelay $0x1  }
0xaf: {  	v3 =	vperm.xlane v3, v2;
	_ =	sdelay $0x1  }
0xb0: {  	s23 =	simm.s32 $0x17400;
	v3 =	vadd.s32 v1, v3  }
0xb1: {  	[tilespmem:s23], [sflag:$0x4] =	stream.indirect_vreg.gather [hbm4b:s1+s3], $0x80, v4, vm0, $0xb8;
	[tilespmem:$0x1A400] =	vst v63  }
0xb2: {  	s24 =	simm.s32 $0x17C00  }
0xb3: {  	[tilespmem:s24], [sflag:$0x4] =	stream.indirect_vreg.gather [hbm4b:s5+s3], $0x80, v4, vm0, $0xb8;
	[tilespmem:$0x1A400] =	vst v63  }
0xb4: {  	s25 =	simm.s32 $0x18400  }
0xb5: {  	[tilespmem:s25], [sflag:$0x4] =	stream.indirect_vreg.gather [hbm4b:s1+s3], $0x80, v3, vm0, $0xb8;
	[tilespmem:$0x1A400] =	vst v63  }
0xb6: {  	s26 =	simm.s32 $0x18C00  }
0xb7: {  	[tilespmem:s26], [sflag:$0x4] =	stream.indirect_vreg.gather [hbm4b:s5+s3], $0x80, v3, vm0, $0xb8;
	[tilespmem:$0x1A400] =	vst v63  }
0xb8: {  	v3 =	vld.msk [tilespmem:$0x98], $0xff;
	_ =	sdelay $0x4  }
0xb9: {  	v63 =	vshll.u32 v3, $0x2  }
0xba: {  	v3 =	vand.u32 $0x7, v3;
	v4 =	vand.u32 $0xFFFFFFE0, v63  }
0xbb: {  	v3 =	vor.u32 v3, v4  }
0xbc: {  	v3 =	vperm.xlane v3, v0;
	_ =	sdelay $0x1  }
0xbd: {  	v3 =	vadd.s32 v1, v3  }
0xbe: {  	s7 =	simm.s32 $0x138;
	s8 =	simm.s32 $0x0  }
0xbf: {  	s11 =	simm.s32 $0xE400;
	s13 =	simm.s32 $0x7400;
	s14 =	simm.s32 $0x7C00  }
0xc0: {  	s18 =	simm.s32 $0x19C00;
	s19 =	simm.s32 $0x9400;
	s20 =	simm.s32 $0x19400  }
0xc1: {  	s21 =	simm.s32 $0xA400;
	s22 =	simm.s32 $0x6400;
	s23 =	simm.s32 $0xAC00  }
0xc2: {  	[tilespmem:s20], [sflag:$0x4] =	stream.indirect_vreg.gather [hbm4b:s1+s3], $0x80, v3, vm0, $0xb8;
	[tilespmem:$0x1A400] =	vst v63  }
0xc3: {  	s24 =	simm.s32 $0xDC00;
	s25 =	simm.s32 $0xC400;
	s26 =	simm.s32 $0xCC00  }
0xc4: {  	[tilespmem:s18], [sflag:$0x4] =	stream.indirect_vreg.gather [hbm4b:s5+s3], $0x80, v3, vm0, $0xb8;
	[tilespmem:$0x1A400] =	vst v63  }
.LBB2_2:
0xc5: {  	_ =	swait.ge [sflag:s28], $0x5000  }
0xc6: {  	s9 =	rddreg [dreg:$0x4]  }
0xc7: {  	[sflag:s28] =	ssyncset.done $0x0;
	s9 =	sadd.s32 s8, s9  }
0xc8: {  	s17 =	simm.s32 $0xB400;
	[sflag:s28] =	ssyncadd.s32 $0xFFFFB000;
	s10 =	sadd.s32 $0xA00, s9  }
0xc9: {  	[hbm4b:s10+s3] =	stream.linear.scatter [tilespmem:s17], [sflag:$0x6], $0x5000, $0x38;
	[tilespmem:$0x1A400] =	vst v63  }
0xca: {  	_ =	swait.ge [sflag:s29], $0x5000  }
0xcb: {  	[sflag:s29] =	ssyncset.done $0x0  }
0xcc: {  	[sflag:s29] =	ssyncadd.s32 $0xFFFFB000  }
0xcd: {  	v3 =	vld [tilespmem:s7+$0xFFFFFF68];
	_ =	sdelay $0x4  }
0xce: {  	v4 =	vshll.u32 v3, $0x2  }
0xcf: {  	v3 =	vand.u32 $0x7, v3;
	v4 =	vand.u32 $0xFFFFFFE0, v4  }
0xd0: {  	v3 =	vor.u32 v3, v4  }
0xd1: {  	v4 =	vperm.xlane v3, v0;
	_ =	sdelay $0x1  }
0xd2: {  	v4 =	vadd.s32 v1, v4;
	_ =	sdelay $0x1  }
0xd3: {  	v3 =	vperm.xlane v3, v2;
	_ =	sdelay $0x1  }
0xd4: {  	v3 =	vadd.s32 v1, v3  }
0xd5: {  	[tilespmem:s22], [sflag:$0x1] =	stream.indirect_vreg.gather [hbm4b:s1+s3], $0x80, v4, vm0, $0xb8;
	[tilespmem:$0x1A400] =	vst v63  }
0xd6: {  	s0 =	simm.s32 $0x6C00  }
0xd7: {  	[tilespmem:s0], [sflag:$0x1] =	stream.indirect_vreg.gather [hbm4b:s5+s3], $0x80, v4, vm0, $0xb8;
	[tilespmem:$0x1A400] =	vst v63  }
0xd8: {  	_ = 	snop  }
0xd9: {  	[tilespmem:s13], [sflag:$0x1] =	stream.indirect_vreg.gather [hbm4b:s1+s3], $0x80, v3, vm0, $0xb8;
	[tilespmem:$0x1A400] =	vst v63  }
0xda: {  	_ = 	snop  }
0xdb: {  	[tilespmem:s14], [sflag:$0x1] =	stream.indirect_vreg.gather [hbm4b:s5+s3], $0x80, v3, vm0, $0xb8;
	[tilespmem:$0x1A400] =	vst v63  }
0xdc: {  	v3 =	vld [tilespmem:s7+$0xFFFFFF78];
	_ =	sdelay $0x4  }
0xdd: {  	v53 =	vshll.u32 v3, $0x2  }
0xde: {  	v3 =	vand.u32 $0x7, v3;
	v4 =	vand.u32 $0xFFFFFFE0, v53  }
0xdf: {  	v3 =	vor.u32 v3, v4  }
0xe0: {  	v4 =	vperm.xlane v3, v0;
	_ =	sdelay $0x1  }
0xe1: {  	v4 =	vadd.s32 v1, v4;
	_ =	sdelay $0x1  }
0xe2: {  	v3 =	vperm.xlane v3, v2;
	_ =	sdelay $0x1  }
0xe3: {  	s12 =	simm.s32 $0x8400;
	v3 =	vadd.s32 v1, v3  }
0xe4: {  	[tilespmem:s12], [sflag:$0x1] =	stream.indirect_vreg.gather [hbm4b:s1+s3], $0x80, v4, vm0, $0xb8;
	[tilespmem:$0x1A400] =	vst v63  }
0xe5: {  	s10 =	simm.s32 $0x8C00  }
0xe6: {  	[tilespmem:s10], [sflag:$0x1] =	stream.indirect_vreg.gather [hbm4b:s5+s3], $0x80, v4, vm0, $0xb8;
	[tilespmem:$0x1A400] =	vst v63  }
0xe7: {  	_ = 	snop  }
0xe8: {  	[tilespmem:s19], [sflag:$0x1] =	stream.indirect_vreg.gather [hbm4b:s1+s3], $0x80, v3, vm0, $0xb8;
	[tilespmem:$0x1A400] =	vst v63  }
0xe9: {  	s12 =	simm.s32 $0x9C00  }
0xea: {  	[tilespmem:s12], [sflag:$0x1] =	stream.indirect_vreg.gather [hbm4b:s5+s3], $0x80, v3, vm0, $0xb8;
	[tilespmem:$0x1A400] =	vst v63  }
0xeb: {  	v3 =	vld.msk [tilespmem:s7+$0xFFFFFF88], $0xff;
	_ =	sdelay $0x4  }
0xec: {  	v54 =	vshll.u32 v3, $0x2  }
0xed: {  	v3 =	vand.u32 $0x7, v3;
	v4 =	vand.u32 $0xFFFFFFE0, v54  }
0xee: {  	v3 =	vor.u32 v3, v4  }
0xef: {  	v3 =	vperm.xlane v3, v0;
	_ =	sdelay $0x1  }
0xf0: {  	v3 =	vadd.s32 v1, v3;
	_ =	sdelay $0x4  }
0xf1: {  	[tilespmem:s21], [sflag:$0x1] =	stream.indirect_vreg.gather [hbm4b:s1+s3], $0x80, v3, vm0, $0xb8;
	[tilespmem:$0x1A400] =	vst v63  }
0xf2: {  	_ = 	snop  }
0xf3: {  	[tilespmem:s23], [sflag:$0x1] =	stream.indirect_vreg.gather [hbm4b:s5+s3], $0x80, v3, vm0, $0xb8;
	[tilespmem:$0x1A400] =	vst v63  }
0xf4: {  	_ =	swait.ge [sflag:s30], $0x5000  }
0xf5: {  	[sflag:s30] =	ssyncset.done $0x0  }
0xf6: {  	s0 =	sadd.s32 $0x1400, s9;
	s12 =	simm.s32 $0x10400;
	[sflag:s30] =	ssyncadd.s32 $0xFFFFB000  }
0xf7: {  	[hbm4b:s0+s3] =	stream.linear.scatter [tilespmem:s12], [sflag:$0x7], $0x5000, $0x38;
	[tilespmem:$0x1A400] =	vst v63  }
0xf8: {  	_ =	swait.ge [sflag:s31], $0x5000  }
0xf9: {  	[sflag:s31] =	ssyncset.done $0x0  }
0xfa: {  	[sflag:s31] =	ssyncadd.s32 $0xFFFFB000  }
0xfb: {  	v3 =	vld [tilespmem:s7+$0xFFFFFF90];
	_ =	sdelay $0x4  }
0xfc: {  	v55 =	vshll.u32 v3, $0x2  }
0xfd: {  	v3 =	vand.u32 $0x7, v3;
	v4 =	vand.u32 $0xFFFFFFE0, v55  }
0xfe: {  	v3 =	vor.u32 v3, v4  }
0xff: {  	v4 =	vperm.xlane v3, v0;
	_ =	sdelay $0x1  }
0x100: {  	v4 =	vadd.s32 v1, v4;
	_ =	sdelay $0x1  }
0x101: {  	v3 =	vperm.xlane v3, v2;
	_ =	sdelay $0x1  }
0x102: {  	v3 =	vadd.s32 v1, v3  }
0x103: {  	[tilespmem:s17], [sflag:$0x2] =	stream.indirect_vreg.gather [hbm4b:s1+s3], $0x80, v4, vm0, $0xb8;
	[tilespmem:$0x1A400] =	vst v63  }
0x104: {  	s17 =	simm.s32 $0xBC00  }
0x105: {  	[tilespmem:s17], [sflag:$0x2] =	stream.indirect_vreg.gather [hbm4b:s5+s3], $0x80, v4, vm0, $0xb8;
	[tilespmem:$0x1A400] =	vst v63  }
0x106: {  	_ = 	snop  }
0x107: {  	[tilespmem:s25], [sflag:$0x2] =	stream.indirect_vreg.gather [hbm4b:s1+s3], $0x80, v3, vm0, $0xb8;
	[tilespmem:$0x1A400] =	vst v63  }
0x108: {  	_ = 	snop  }
0x109: {  	[tilespmem:s26], [sflag:$0x2] =	stream.indirect_vreg.gather [hbm4b:s5+s3], $0x80, v3, vm0, $0xb8;
	[tilespmem:$0x1A400] =	vst v63  }
0x10a: {  	v3 =	vld [tilespmem:s7+$0xFFFFFFA0];
	_ =	sdelay $0x4  }
0x10b: {  	v56 =	vshll.u32 v3, $0x2  }
0x10c: {  	v3 =	vand.u32 $0x7, v3;
	v4 =	vand.u32 $0xFFFFFFE0, v56  }
0x10d: {  	v3 =	vor.u32 v3, v4  }
0x10e: {  	v4 =	vperm.xlane v3, v0;
	_ =	sdelay $0x1  }
0x10f: {  	v4 =	vadd.s32 v1, v4;
	_ =	sdelay $0x1  }
0x110: {  	v3 =	vperm.xlane v3, v2;
	_ =	sdelay $0x1  }
0x111: {  	s17 =	simm.s32 $0xD400;
	v3 =	vadd.s32 v1, v3  }
0x112: {  	[tilespmem:s17], [sflag:$0x2] =	stream.indirect_vreg.gather [hbm4b:s1+s3], $0x80, v4, vm0, $0xb8;
	[tilespmem:$0x1A400] =	vst v63  }
0x113: {  	_ = 	snop  }
0x114: {  	[tilespmem:s24], [sflag:$0x2] =	stream.indirect_vreg.gather [hbm4b:s5+s3], $0x80, v4, vm0, $0xb8;
	[tilespmem:$0x1A400] =	vst v63  }
0x115: {  	_ = 	snop  }
0x116: {  	[tilespmem:s11], [sflag:$0x2] =	stream.indirect_vreg.gather [hbm4b:s1+s3], $0x80, v3, vm0, $0xb8;
	[tilespmem:$0x1A400] =	vst v63  }
0x117: {  	s17 =	simm.s32 $0xEC00  }
0x118: {  	[tilespmem:s17], [sflag:$0x2] =	stream.indirect_vreg.gather [hbm4b:s5+s3], $0x80, v3, vm0, $0xb8;
	[tilespmem:$0x1A400] =	vst v63  }
0x119: {  	v3 =	vld.msk [tilespmem:s7+$0xFFFFFFB0], $0xff;
	_ =	sdelay $0x4  }
0x11a: {  	v57 =	vshll.u32 v3, $0x2  }
0x11b: {  	v3 =	vand.u32 $0x7, v3;
	v4 =	vand.u32 $0xFFFFFFE0, v57  }
0x11c: {  	v3 =	vor.u32 v3, v4  }
0x11d: {  	v3 =	vperm.xlane v3, v0;
	_ =	sdelay $0x1  }
0x11e: {  	v3 =	vadd.s32 v1, v3;
	_ =	sdelay $0x3  }
0x11f: {  	s17 =	simm.s32 $0xF400  }
0x120: {  	[tilespmem:s17], [sflag:$0x2] =	stream.indirect_vreg.gather [hbm4b:s1+s3], $0x80, v3, vm0, $0xb8;
	[tilespmem:$0x1A400] =	vst v63  }
0x121: {  	s17 =	simm.s32 $0xFC00  }
0x122: {  	[tilespmem:s17], [sflag:$0x2] =	stream.indirect_vreg.gather [hbm4b:s5+s3], $0x80, v3, vm0, $0xb8;
	[tilespmem:$0x1A400] =	vst v63  }
0x123: {  	_ =	swait.ge [sflag:s2], $0x5000  }
0x124: {  	[sflag:s2] =	ssyncset.done $0x0  }
0x125: {  	s17 =	sadd.s32 $0x1E00, s9;
	[sflag:s2] =	ssyncadd.s32 $0xFFFFB000  }
0x126: {  	[hbm4b:s17+s3] =	stream.linear.scatter [tilespmem:s16], [sflag:$0x8], $0x5000, $0x38;
	[tilespmem:$0x1A400] =	vst v63  }
0x127: {  	_ =	swait.ge [sflag:s4], $0x5000  }
0x128: {  	[sflag:s4] =	ssyncset.done $0x0  }
0x129: {  	[sflag:s4] =	ssyncadd.s32 $0xFFFFB000  }
0x12a: {  	v3 =	vld [tilespmem:s7+$0xFFFFFFB8];
	_ =	sdelay $0x4  }
0x12b: {  	v58 =	vshll.u32 v3, $0x2  }
0x12c: {  	v3 =	vand.u32 $0x7, v3;
	v4 =	vand.u32 $0xFFFFFFE0, v58  }
0x12d: {  	v3 =	vor.u32 v3, v4  }
0x12e: {  	v4 =	vperm.xlane v3, v0;
	_ =	sdelay $0x1  }
0x12f: {  	v4 =	vadd.s32 v1, v4;
	_ =	sdelay $0x1  }
0x130: {  	v3 =	vperm.xlane v3, v2;
	_ =	sdelay $0x1  }
0x131: {  	v3 =	vadd.s32 v1, v3  }
0x132: {  	[tilespmem:s12], [sflag:$0x3] =	stream.indirect_vreg.gather [hbm4b:s1+s3], $0x80, v4, vm0, $0xb8;
	[tilespmem:$0x1A400] =	vst v63  }
0x133: {  	s12 =	simm.s32 $0x10C00  }
0x134: {  	[tilespmem:s12], [sflag:$0x3] =	stream.indirect_vreg.gather [hbm4b:s5+s3], $0x80, v4, vm0, $0xb8;
	[tilespmem:$0x1A400] =	vst v63  }
0x135: {  	s12 =	simm.s32 $0x11400  }
0x136: {  	[tilespmem:s12], [sflag:$0x3] =	stream.indirect_vreg.gather [hbm4b:s1+s3], $0x80, v3, vm0, $0xb8;
	[tilespmem:$0x1A400] =	vst v63  }
0x137: {  	s12 =	simm.s32 $0x11C00  }
0x138: {  	[tilespmem:s12], [sflag:$0x3] =	stream.indirect_vreg.gather [hbm4b:s5+s3], $0x80, v3, vm0, $0xb8;
	[tilespmem:$0x1A400] =	vst v63  }
0x139: {  	v3 =	vld [tilespmem:s7+$0xFFFFFFC8];
	_ =	sdelay $0x4  }
0x13a: {  	v59 =	vshll.u32 v3, $0x2  }
0x13b: {  	v3 =	vand.u32 $0x7, v3;
	v4 =	vand.u32 $0xFFFFFFE0, v59  }
0x13c: {  	v3 =	vor.u32 v3, v4  }
0x13d: {  	v4 =	vperm.xlane v3, v0;
	_ =	sdelay $0x1  }
0x13e: {  	v4 =	vadd.s32 v1, v4;
	_ =	sdelay $0x1  }
0x13f: {  	v3 =	vperm.xlane v3, v2;
	_ =	sdelay $0x1  }
0x140: {  	s12 =	simm.s32 $0x12400;
	v3 =	vadd.s32 v1, v3  }
0x141: {  	[tilespmem:s12], [sflag:$0x3] =	stream.indirect_vreg.gather [hbm4b:s1+s3], $0x80, v4, vm0, $0xb8;
	[tilespmem:$0x1A400] =	vst v63  }
0x142: {  	s12 =	simm.s32 $0x12C00  }
0x143: {  	[tilespmem:s12], [sflag:$0x3] =	stream.indirect_vreg.gather [hbm4b:s5+s3], $0x80, v4, vm0, $0xb8;
	[tilespmem:$0x1A400] =	vst v63  }
0x144: {  	s12 =	simm.s32 $0x13400  }
0x145: {  	[tilespmem:s12], [sflag:$0x3] =	stream.indirect_vreg.gather [hbm4b:s1+s3], $0x80, v3, vm0, $0xb8;
	[tilespmem:$0x1A400] =	vst v63  }
0x146: {  	s12 =	simm.s32 $0x13C00  }
0x147: {  	[tilespmem:s12], [sflag:$0x3] =	stream.indirect_vreg.gather [hbm4b:s5+s3], $0x80, v3, vm0, $0xb8;
	[tilespmem:$0x1A400] =	vst v63  }
0x148: {  	v3 =	vld.msk [tilespmem:s7+$0xFFFFFFD8], $0xff;
	_ =	sdelay $0x4  }
0x149: {  	v60 =	vshll.u32 v3, $0x2  }
0x14a: {  	v3 =	vand.u32 $0x7, v3;
	v4 =	vand.u32 $0xFFFFFFE0, v60  }
0x14b: {  	v3 =	vor.u32 v3, v4  }
0x14c: {  	v3 =	vperm.xlane v3, v0;
	_ =	sdelay $0x1  }
0x14d: {  	v3 =	vadd.s32 v1, v3;
	_ =	sdelay $0x3  }
0x14e: {  	s12 =	simm.s32 $0x14400  }
0x14f: {  	[tilespmem:s12], [sflag:$0x3] =	stream.indirect_vreg.gather [hbm4b:s1+s3], $0x80, v3, vm0, $0xb8;
	[tilespmem:$0x1A400] =	vst v63  }
0x150: {  	s12 =	simm.s32 $0x14C00  }
0x151: {  	[tilespmem:s12], [sflag:$0x3] =	stream.indirect_vreg.gather [hbm4b:s5+s3], $0x80, v3, vm0, $0xb8;
	[tilespmem:$0x1A400] =	vst v63  }
0x152: {  	_ =	swait.ge [sflag:s15], $0x5000  }
0x153: {  	[sflag:s15] =	ssyncset.done $0x0  }
0x154: {  	s9 =	sadd.s32 $0x2800, s9;
	[sflag:s15] =	ssyncadd.s32 $0xFFFFB000  }
0x155: {  	[hbm4b:s9+s3] =	stream.linear.scatter [tilespmem:s22], [sflag:$0x5], $0x5000, $0x38;
	[tilespmem:$0x1A400] =	vst v63  }
0x156: {  	_ =	swait.ge [sflag:s6], $0x5000  }
0x157: {  	[sflag:s6] =	ssyncset.done $0x0  }
0x158: {  	[sflag:s6] =	ssyncadd.s32 $0xFFFFB000  }
0x159: {  	v3 =	vld [tilespmem:s7+$0xFFFFFFE0];
	_ =	sdelay $0x4  }
0x15a: {  	v61 =	vshll.u32 v3, $0x2  }
0x15b: {  	v3 =	vand.u32 $0x7, v3;
	v4 =	vand.u32 $0xFFFFFFE0, v61  }
0x15c: {  	v3 =	vor.u32 v3, v4  }
0x15d: {  	v4 =	vperm.xlane v3, v0;
	_ =	sdelay $0x1  }
0x15e: {  	v4 =	vadd.s32 v1, v4;
	_ =	sdelay $0x1  }
0x15f: {  	v3 =	vperm.xlane v3, v2;
	_ =	sdelay $0x1  }
0x160: {  	v3 =	vadd.s32 v1, v3  }
0x161: {  	[tilespmem:s16], [sflag:$0x4] =	stream.indirect_vreg.gather [hbm4b:s1+s3], $0x80, v4, vm0, $0xb8;
	[tilespmem:$0x1A400] =	vst v63  }
0x162: {  	s12 =	simm.s32 $0x15C00  }
0x163: {  	[tilespmem:s12], [sflag:$0x4] =	stream.indirect_vreg.gather [hbm4b:s5+s3], $0x80, v4, vm0, $0xb8;
	[tilespmem:$0x1A400] =	vst v63  }
0x164: {  	s10 =	simm.s32 $0x16400  }
0x165: {  	[tilespmem:s10], [sflag:$0x4] =	stream.indirect_vreg.gather [hbm4b:s1+s3], $0x80, v3, vm0, $0xb8;
	[tilespmem:$0x1A400] =	vst v63  }
0x166: {  	s12 =	simm.s32 $0x16C00  }
0x167: {  	[tilespmem:s12], [sflag:$0x4] =	stream.indirect_vreg.gather [hbm4b:s5+s3], $0x80, v3, vm0, $0xb8;
	[tilespmem:$0x1A400] =	vst v63  }
0x168: {  	v3 =	vld [tilespmem:s7+$0xFFFFFFF0];
	_ =	sdelay $0x4  }
0x169: {  	v62 =	vshll.u32 v3, $0x2  }
0x16a: {  	v3 =	vand.u32 $0x7, v3;
	v4 =	vand.u32 $0xFFFFFFE0, v62  }
0x16b: {  	v3 =	vor.u32 v3, v4  }
0x16c: {  	v4 =	vperm.xlane v3, v0;
	_ =	sdelay $0x1  }
0x16d: {  	v4 =	vadd.s32 v1, v4;
	_ =	sdelay $0x1  }
0x16e: {  	v3 =	vperm.xlane v3, v2;
	_ =	sdelay $0x1  }
0x16f: {  	s10 =	simm.s32 $0x17400;
	v3 =	vadd.s32 v1, v3  }
0x170: {  	[tilespmem:s10], [sflag:$0x4] =	stream.indirect_vreg.gather [hbm4b:s1+s3], $0x80, v4, vm0, $0xb8;
	[tilespmem:$0x1A400] =	vst v63  }
0x171: {  	s12 =	simm.s32 $0x17C00  }
0x172: {  	[tilespmem:s12], [sflag:$0x4] =	stream.indirect_vreg.gather [hbm4b:s5+s3], $0x80, v4, vm0, $0xb8;
	[tilespmem:$0x1A400] =	vst v63  }
0x173: {  	s10 =	simm.s32 $0x18400  }
0x174: {  	[tilespmem:s10], [sflag:$0x4] =	stream.indirect_vreg.gather [hbm4b:s1+s3], $0x80, v3, vm0, $0xb8;
	[tilespmem:$0x1A400] =	vst v63  }
0x175: {  	s12 =	simm.s32 $0x18C00  }
0x176: {  	[tilespmem:s12], [sflag:$0x4] =	stream.indirect_vreg.gather [hbm4b:s5+s3], $0x80, v3, vm0, $0xb8;
	[tilespmem:$0x1A400] =	vst v63  }
0x177: {  	v3 =	vld.msk [tilespmem:s7+$0x0], $0xff;
	_ =	sdelay $0x4  }
0x178: {  	v63 =	vshll.u32 v3, $0x2  }
0x179: {  	v3 =	vand.u32 $0x7, v3;
	v4 =	vand.u32 $0xFFFFFFE0, v63  }
0x17a: {  	v3 =	vor.u32 v3, v4  }
0x17b: {  	v3 =	vperm.xlane v3, v0;
	_ =	sdelay $0x1  }
0x17c: {  	v3 =	vadd.s32 v1, v3;
	_ =	sdelay $0x1  }
0x17d: {  	p0 =	sne.s32 s8, $0x18B000  }
.Ltmp0:
0x17e: {  	_ = 	snop;
	(pc) =	sbr.rel @p0 .LBB2_2-.Ltmp0, $4  }
0x17f: {  	s8 =	sadd.s32 $0x2800, s8  }
0x180: {  	[tilespmem:s20], [sflag:$0x4] =	stream.indirect_vreg.gather [hbm4b:s1+s3], $0x80, v3, vm0, $0xb8;
	[tilespmem:$0x1A400] =	vst v63  }
0x181: {  	s0 =	simm.s32 $0xB400;
	s17 =	simm.s32 $0x10400;
	s7 =	sadd.s32 $0xA0, s7  }
0x182: {  	[tilespmem:s18], [sflag:$0x4] =	stream.indirect_vreg.gather [hbm4b:s5+s3], $0x80, v3, vm0, $0xb8;
	[tilespmem:$0x1A400] =	vst v63  }
0x183: {  	_ =	swait.ge [sflag:s28], $0x5000  }
0x184: {  	[sflag:s28] =	ssyncset.done $0x0  }
0x185: {  	s7 =	rddreg [dreg:$0x7];
	[sflag:s28] =	ssyncadd.s32 $0xFFFFB000  }
0x186: {  	[hbm4b:s7+s3] =	stream.linear.scatter [tilespmem:s0], [sflag:$0x6], $0x5000, $0x38;
	[tilespmem:$0x1A400] =	vst v63  }
0x187: {  	_ =	swait.ge [sflag:s30], $0x5000  }
0x188: {  	[sflag:s30] =	ssyncset.done $0x0  }
0x189: {  	s24 =	rddreg [dreg:$0x8];
	[sflag:s30] =	ssyncadd.s32 $0xFFFFB000  }
0x18a: {  	[hbm4b:s24+s3] =	stream.linear.scatter [tilespmem:s17], [sflag:$0x7], $0x5000, $0x38;
	[tilespmem:$0x1A400] =	vst v63  }
0x18b: {  	_ =	swait.ge [sflag:s2], $0x5000  }
0x18c: {  	[sflag:s2] =	ssyncset.done $0x0  }
0x18d: {  	s25 =	rddreg [dreg:$0x9];
	[sflag:s2] =	ssyncadd.s32 $0xFFFFB000  }
0x18e: {  	[hbm4b:s25+s3] =	stream.linear.scatter [tilespmem:s16], [sflag:$0x8], $0x5000, $0x38;
	[tilespmem:$0x1A400] =	vst v63  }
0x18f: {  	_ =	swait.ge [sflag:s29], $0x5000  }
0x190: {  	[sflag:s29] =	ssyncset.done $0x0  }
0x191: {  	[sflag:s29] =	ssyncadd.s32 $0xFFFFB000  }
0x192: {  	_ =	swait.ge [sflag:s31], $0x5000  }
0x193: {  	[sflag:s31] =	ssyncset.done $0x0  }
0x194: {  	[sflag:s31] =	ssyncadd.s32 $0xFFFFB000  }
0x195: {  	_ =	swait.ge [sflag:s4], $0x5000  }
0x196: {  	[sflag:s4] =	ssyncset.done $0x0  }
0x197: {  	[sflag:s4] =	ssyncadd.s32 $0xFFFFB000  }
0x198: {  	_ =	swait.ge [sflag:s6], $0x5000  }
0x199: {  	s9 =	simm.s32 $0x7400;
	s10 =	simm.s32 $0x7C00;
	s8 =	rddreg [dreg:$0xb]  }
0x19a: {  	s11 =	simm.s32 $0x8400;
	s26 =	rddreg [dreg:$0xa];
	s8 =	sadd.s32 $0x1, s8  }
0x19b: {  	s13 =	simm.s32 $0x8C00;
	s14 =	simm.s32 $0x9400;
	p0 =	sne.s32 s8, s26  }
.Ltmp1:
0x19c: {  	s18 =	simm.s32 $0xA400;
	s19 =	simm.s32 $0xAC00;
	(pc) =	sbr.rel @p0 .LBB2_1-.Ltmp1, $4  }
0x19d: {  	s20 =	simm.s32 $0xBC00;
	s21 =	simm.s32 $0xC400;
	s23 =	simm.s32 $0xCC00  }
0x19e: {  	s12 =	simm.s32 $0xD400;
	s22 =	simm.s32 $0x6400;
	[sflag:s6] =	ssyncset.done $0x0  }
0x19f: {  	s24 =	simm.s32 $0xDC00;
	s25 =	simm.s32 $0xE400;
	[sflag:s6] =	ssyncadd.s32 $0xFFFFB000  }
0x1a0: {  	[dreg:$0xb] =	wrdreg s8;
	s8 =	simm.s32 $0x6C00;
	s26 =	simm.s32 $0x9C00  }
0x1a1: {  	_ =	sfence.sel $0x180000  }
0x1a2: {  	[bflag:$0x0] =	sbarrier.arrive $0xFFFF  }
0x1a3: {  	_ =	strace $0x90000047  }
0x1a4: {  	s0 =	stileid.u32;
	[bflag:$0x2] =	sbarrier.arrive $0xFFFF  }
0x1a5: {  	p0 =	sne.s32 s0, $0x0;
	s0 =	rddreg [dreg:$0x3]  }
0x1a6: {  	s0 =	sadd.s32 @!p0 $0x100000, s0  }
0x1a7: {  	[sflag:s0] =	ssyncadd.tile.s32 @!p0 $0x1;
	_ =	shalt  }
.Lfunc_end2:
_tile_overlayer_lowered:
.L_overlay_start_2:
0x1a8: {  	(tag) =	ssettag $0x2  }
0x1a9: {  	s0 =	rddreg [dreg:$0x0];
	s2 =	stileid.u32  }
0x1aa: {  	s1 =	rddreg [dreg:$0x1];
	p0 =	sne.s32 s2, $0x0  }
0x1ab: {  	s3 =	rddreg [dreg:$0x2];
	[bflag:$0x3] =	sbarrier.arrive $0xFFFF;
	s2 =	simm.s32 @!p0 $0x1C09  }
0x1ac: {  	[timem:s3], [sflag:s2] =	dma.local @!p0 [hbm:s0], s1  }
0x1ad: {  	s0 =	simm.s32 @!p0 $0x9  }
0x1ae: {  	_ =	swait.ge @!p0 [sflag:s0], s1  }
0x1af: {  	s1 =	ssub.s32 @!p0 $0x0, s1;
	[sflag:s0] =	ssyncset.done @!p0 $0x0  }
0x1b0: {  	[sflag:s0] =	ssyncadd.s32 @!p0 s1  }
0x1b1: {  	[bflag:$0x3] =	sbarrier.arrive $0xFFFF  }
0x1b2: {  	_ =	shalt  }

</sc_bundles>
